<compile_context>
chip_gen: v7x
topology: tpu7x:2x2x1
jax: 0.10.2.dev20260603
libtpu: 0.0.44.dev20260713+nightly
codegen_flags: <defaults>
</compile_context>

<pallas_src>
import functools

import jax
import jax.numpy as jnp
from jax import lax
from jax.experimental import pallas as pl
from jax.experimental.pallas import tpu as pltpu
from jax.experimental.pallas import tpu_sc as plsc

N = 10000
D = 128
OUT = 128
E = 320000

HP = 64
NC = 2
NS = 16
K = 128
ROWS_PER_TILE = 632
N_PAD = ROWS_PER_TILE * NS
G = 8
NG = 20
CHUNKS = G * NG
E_PAD = NS * K * CHUNKS
STAGE_ROWS = N // NS
EPS = 1e-5



BN1 = 1000


def _mlp1_body(x_ref, w1a_ref, w1b_ref, out_ref):
    h1 = jnp.maximum(
        jnp.dot(x_ref[...], w1a_ref[...], preferred_element_type=jnp.float32), 0.0)
    out_ref[...] = jnp.dot(h1, w1b_ref[...],
                           preferred_element_type=jnp.float32)


def _mlp1(x, w1a, w1b):
    return pl.pallas_call(
        _mlp1_body,
        grid=(N // BN1,),
        in_specs=[
            pl.BlockSpec((BN1, D), lambda i: (i, 0)),
            pl.BlockSpec((D, D), lambda i: (0, 0)),
            pl.BlockSpec((D, D), lambda i: (0, 0)),
        ],
        out_specs=pl.BlockSpec((BN1, D), lambda i: (i, 0)),
        out_shape=jax.ShapeDtypeStruct((N, D), jnp.float32),
    )(x, w1a, w1b)



def _sc_agg_body(h_hbm, idx_hbm, zeros_hbm, out_hbm, rowi_v, coli_v, rows_a,
                 rows_b, tbl_sh, acc_sh, sem_a, sem_b, sem_i, sem_j):
    cid = lax.axis_index("c")
    sid = lax.axis_index("s")

    pltpu.sync_copy(
        h_hbm.at[pl.ds(sid * STAGE_ROWS, STAGE_ROWS), pl.ds(cid * HP, HP)],
        tbl_sh.at[pl.ds(sid * STAGE_ROWS, STAGE_ROWS)])

    pltpu.sync_copy(zeros_hbm, rows_a)

    obase = sid * ROWS_PER_TILE
    nfull = ROWS_PER_TILE // K
    rem = ROWS_PER_TILE - nfull * K
    for r in range(nfull):
        pltpu.sync_copy(rows_a, acc_sh.at[pl.ds(obase + r * K, K)])
    pltpu.sync_copy(rows_a.at[pl.ds(0, rem)],
                    acc_sh.at[pl.ds(obase + nfull * K, rem)])

    plsc.subcore_barrier()

    bufs = (rows_a, rows_b)
    sems = (sem_a, sem_b)

    def start_gather(s, t, b):
        pltpu.async_copy(tbl_sh.at[rowi_v.at[s, t]], bufs[b], sems[b])

    def wait_gather(b):
        pltpu.make_async_copy(tbl_sh.at[rowi_v.at[0, 0]], bufs[b],
                              sems[b]).wait()

    pltpu.sync_copy(idx_hbm.at[0, sid, 0], rowi_v.at[0])
    pltpu.sync_copy(idx_hbm.at[1, sid, 0], coli_v.at[0])

    def group_body(g, _):
        s = g % 2

        @pl.when(g + 1 < NG)
        def _():
            pltpu.async_copy(idx_hbm.at[0, sid, g + 1], rowi_v.at[1 - s],
                             sem_i)
            pltpu.async_copy(idx_hbm.at[1, sid, g + 1], coli_v.at[1 - s],
                             sem_j)
        start_gather(s, 0, 0)
        for t in range(G - 1):
            start_gather(s, t + 1, (t + 1) % 2)
            wait_gather(t % 2)
            pltpu.sync_copy(bufs[t % 2], acc_sh.at[coli_v.at[s, t]],
                            add=True)
        wait_gather((G - 1) % 2)
        pltpu.sync_copy(bufs[(G - 1) % 2],
                        acc_sh.at[coli_v.at[s, G - 1]], add=True)

        @pl.when(g + 1 < NG)
        def _():
            pltpu.make_async_copy(idx_hbm.at[0, sid, 0], rowi_v.at[1 - s],
                                  sem_i).wait()
            pltpu.make_async_copy(idx_hbm.at[1, sid, 0], coli_v.at[1 - s],
                                  sem_j).wait()
        return 0
    lax.fori_loop(0, NG, group_body, 0)

    plsc.subcore_barrier()

    for r in range(nfull):
        pltpu.sync_copy(acc_sh.at[pl.ds(obase + r * K, K)], rows_a)
        pltpu.sync_copy(rows_a,
                        out_hbm.at[pl.ds(obase + r * K, K),
                                   pl.ds(cid * HP, HP)])
    pltpu.sync_copy(acc_sh.at[pl.ds(obase + nfull * K, rem)],
                    rows_a.at[pl.ds(0, rem)])
    pltpu.sync_copy(rows_a.at[pl.ds(0, rem)],
                    out_hbm.at[pl.ds(obase + nfull * K, rem),
                               pl.ds(cid * HP, HP)])


def _sc_agg(h, idx5, zeros):
    mesh = plsc.VectorSubcoreMesh(core_axis_name="c", subcore_axis_name="s")
    fn = functools.partial(
        pl.kernel,
        mesh=mesh,
        out_type=jax.ShapeDtypeStruct((N_PAD, D), jnp.float32),
        scratch_types=[
            pltpu.VMEM((2, G, K), jnp.int32),
            pltpu.VMEM((2, G, K), jnp.int32),
            pltpu.VMEM((K, HP), jnp.float32),
            pltpu.VMEM((K, HP), jnp.float32),
            pltpu.VMEM_SHARED((N, HP), jnp.float32),
            pltpu.VMEM_SHARED((N_PAD, HP), jnp.float32),
            pltpu.SemaphoreType.DMA,
            pltpu.SemaphoreType.DMA,
            pltpu.SemaphoreType.DMA,
            pltpu.SemaphoreType.DMA,
        ],
        compiler_params=pltpu.CompilerParams(use_tc_tiling_on_sc=False),
    )(_sc_agg_body)
    return fn(h, idx5, zeros)



BN2 = 1000


def _ln(v, g, b):
    mu = jnp.mean(v, axis=-1, keepdims=True)
    var = jnp.mean((v - mu) ** 2, axis=-1, keepdims=True)
    return (v - mu) * lax.rsqrt(var + EPS) * g + b


def _mlp2_body(x_ref, p_ref, w2f_ref, w2g_ref,
               w2b_ref, g1_ref, b1_ref, g2_ref, b2_ref, w_ref, out_ref):
    ln1 = _ln(p_ref[...], g1_ref[...], b1_ref[...])
    fx = x_ref[...] + (x_ref[...] - ln1) * w_ref[...]
    ln2 = _ln(fx, g2_ref[...], b2_ref[...])
    t = jnp.maximum(
        jnp.dot(ln2, w2f_ref[...], preferred_element_type=jnp.float32)
        + jnp.dot(ln1, w2g_ref[...], preferred_element_type=jnp.float32), 0.0)
    out_ref[...] = jnp.dot(t, w2b_ref[...], preferred_element_type=jnp.float32)


def _mlp2(x, parts, w2f, w2g, w2b, g1, b1, g2, b2, w):
    one_spec = pl.BlockSpec((1, D), lambda i: (0, 0))
    mat_spec = pl.BlockSpec((D, D), lambda i: (0, 0))
    return pl.pallas_call(
        _mlp2_body,
        grid=(N // BN2,),
        in_specs=[
            pl.BlockSpec((BN2, D), lambda i: (i, 0)),
            pl.BlockSpec((BN2, D), lambda i: (i, 0)),
            mat_spec, mat_spec,
            pl.BlockSpec((D, OUT), lambda i: (0, 0)),
            one_spec, one_spec, one_spec, one_spec, one_spec,
        ],
        out_specs=pl.BlockSpec((BN2, OUT), lambda i: (i, 0)),
        out_shape=jax.ShapeDtypeStruct((N, OUT), jnp.float32),
    )(x, parts, w2f, w2g, w2b, g1, b1, g2, b2, w)



@jax.jit
def kernel(x, edge_index, batch, W1a, W1b, W2a, W2b, w, g1, b1, g2, b2):
    pad = E_PAD - E
    pad_blk = jnp.concatenate([
        jnp.zeros((1, pad), jnp.int32),
        jnp.full((1, pad), N, jnp.int32),
    ], axis=0)
    idx5 = jnp.concatenate([edge_index, pad_blk], axis=1).reshape(
        2, NS, NG, G, K)

    h = _mlp1(x, W1a, W1b)
    agg = _sc_agg(h, idx5, jnp.zeros((K, HP), jnp.float32))

    out = _mlp2(
        x, agg,
        W2a[:D], W2a[D:], W2b,
        g1.reshape(1, D), b1.reshape(1, D),
        g2.reshape(1, D), b2.reshape(1, D), w.reshape(1, D),
    )
    return out

# --- scband reference (transcript-rebuilt; emitter-appended) ---
"""Pipeline reference for scband-node-model-73297911873868 (READ-ONLY COPY).

The authoritative reference and input builder live on the scoring server;
editing this copy changes nothing except your own understanding.
"""

import jax, jax.numpy as jnp
import numpy as np

N = 10000
E = 320000
D = 128
OUT = 128


def layer_norm(x, g, b, eps=1e-5):
    mu = jnp.mean(x, axis=-1, keepdims=True)
    var = jnp.mean((x - mu) ** 2, axis=-1, keepdims=True)
    return (x - mu) / jnp.sqrt(var + eps) * g + b


def setup_inputs(seed: int = 0) -> dict:
    key = jax.random.key(seed)
    ks = jax.random.split(key, 8)
    x = jax.random.normal(ks[0], (N, D), dtype=jnp.float32)
    edge_index = jax.random.randint(ks[1], (2, E), 0, N, dtype=jnp.int32)
    batch = jnp.zeros((N,), dtype=jnp.int32)
    s1 = 1.0 / np.sqrt(D)
    s2 = 1.0 / np.sqrt(2 * D)
    W1a = jax.random.normal(ks[2], (D, D), dtype=jnp.float32) * s1
    W1b = jax.random.normal(ks[3], (D, D), dtype=jnp.float32) * s1
    W2a = jax.random.normal(ks[4], (2 * D, D), dtype=jnp.float32) * s2
    W2b = jax.random.normal(ks[5], (D, OUT), dtype=jnp.float32) * s1
    w = jnp.ones((D,), dtype=jnp.float32)
    g1 = jnp.ones((D,), dtype=jnp.float32)
    b1 = jnp.zeros((D,), dtype=jnp.float32)
    g2 = jnp.ones((D,), dtype=jnp.float32)
    b2 = jnp.zeros((D,), dtype=jnp.float32)
    return {"x": x, "edge_index": edge_index, "batch": batch,
            "W1a": W1a, "W1b": W1b, "W2a": W2a, "W2b": W2b,
            "w": w, "g1": g1, "b1": b1, "g2": g2, "b2": b2}


def reference(x, edge_index, batch, W1a, W1b, W2a, W2b, w, g1, b1, g2, b2):
    # init_coords is None -> x_input = x
    row = edge_index[0]
    col = edge_index[1]
    # gather source-node features per edge
    neighbor_msg = jnp.take(x, row, axis=0)
    # node_mlp_1: Linear(no bias) -> ReLU -> Linear(no bias)
    neighbor_msg = jnp.maximum(neighbor_msg @ W1a, 0.0) @ W1b
    # scatter_mean over destination nodes
    agg_sum = jax.ops.segment_sum(neighbor_msg, col, num_segments=N)
    cnt = jax.ops.segment_sum(jnp.ones((E,), dtype=x.dtype), col, num_segments=N)
    cnt = jnp.clip(cnt, 1.0, None)
    agg_neighbors = agg_sum / cnt[:, None]
    agg_neighbors = layer_norm(agg_neighbors, g1, b1)
    repulsion = (x - agg_neighbors) * w
    fx = x + repulsion
    fx = layer_norm(fx, g2, b2)
    out_final = jnp.concatenate([fx, agg_neighbors], axis=1)
    final_output = jnp.maximum(out_final @ W2a, 0.0) @ W2b
    return final_output

if __name__ == "__main__":
    import jax
    _d = setup_inputs()
    print(jax.jit(kernel)(*tuple(_d.values())))

</pallas_src>

<mosaic_0001>
#map = affine_map<(d0, d1) -> (0, 0)>
#map1 = affine_map<(d0, d1) -> (0, 0, 0, 0, 0)>
module attributes {stable_mosaic.version = 14 : i64} {
  func.func @_sc_agg_body(%arg0: i32, %arg1: i32, %arg2: memref<10000x128xf32, #tpu.memory_space<hbm>>, %arg3: memref<2x16x20x8x128xi32, #tpu.memory_space<hbm>>, %arg4: memref<128x64xf32, #tpu.memory_space<hbm>>, %arg5: memref<10112x128xf32, #tpu.memory_space<hbm>>, %arg6: memref<2x8x128xi32, #tpu.memory_space<vmem>>, %arg7: memref<2x8x128xi32, #tpu.memory_space<vmem>>, %arg8: memref<128x64xf32, #tpu.memory_space<vmem>>, %arg9: memref<128x64xf32, #tpu.memory_space<vmem>>, %arg10: memref<10000x64xf32, #tpu.memory_space<vmem_shared>>, %arg11: memref<10112x64xf32, #tpu.memory_space<vmem_shared>>, %arg12: memref<!tpu.dma_semaphore, #tpu.memory_space<semaphore_mem>>, %arg13: memref<!tpu.dma_semaphore, #tpu.memory_space<semaphore_mem>>, %arg14: memref<!tpu.dma_semaphore, #tpu.memory_space<semaphore_mem>>, %arg15: memref<!tpu.dma_semaphore, #tpu.memory_space<semaphore_mem>>) attributes {dimension_semantics = [#tpu.dimension_semantics<core_parallel>, #tpu.dimension_semantics<subcore_parallel>], iteration_bounds = array<i64: 2, 16>, scalar_prefetch = 0 : i64, scratch_operands = 10 : i64, tpu.core_type = #tpu.core_type<sc_vector_subcore>, window_params = [{transform_indices = #map}, {transform_indices = #map1}, {transform_indices = #map}, {transform_indices = #map}]} {
    %mul3A = arith.constant 625 : i32
    %mul3A_0 = arith.muli %arg1, %mul3A : i32
    %mul3A_1 = arith.constant 64 : i32
    %mul3A_2 = arith.muli %arg0, %mul3A_1 : i32
    %mul3A_3 = arith.constant 625 : i32
    %mul3A_4 = arith.muli %arg1, %mul3A_3 : i32
    "tpu.region"() ({
      %run_scoped3A_58 = tpu.sem_alloc : memref<!tpu.dma_semaphore, #tpu.memory_space<semaphore_mem>>
      %dma_start3A = arith.constant 0 : i32
      %dma_start3A_59 = tpu.memref_slice %arg10[%mul3A_4, %dma_start3A] : memref<10000x64xf32, #tpu.memory_space<vmem_shared>> -> memref<625x64xf32, #tpu.memory_space<vmem_shared>>
      %dma_start3A_60 = tpu.memref_slice %arg2[%mul3A_0, %mul3A_2] : memref<10000x128xf32, #tpu.memory_space<hbm>> -> memref<625x64xf32, #tpu.memory_space<hbm>>
      tpu.enqueue_dma source(%dma_start3A_60 : memref<625x64xf32, #tpu.memory_space<hbm>>) target(%dma_start3A_59 : memref<625x64xf32, #tpu.memory_space<vmem_shared>>) target_semaphore(%run_scoped3A_58 : memref<!tpu.dma_semaphore, #tpu.memory_space<semaphore_mem>>)
      %dma_wait3A = arith.constant 0 : i32
      %dma_wait3A_61 = tpu.memref_slice %arg10[%mul3A_4, %dma_wait3A] : memref<10000x64xf32, #tpu.memory_space<vmem_shared>> -> memref<625x64xf32, #tpu.memory_space<vmem_shared>>
      %dma_wait3A_62 = tpu.memref_slice %arg2[%mul3A_0, %mul3A_2] : memref<10000x128xf32, #tpu.memory_space<hbm>> -> memref<625x64xf32, #tpu.memory_space<hbm>>
      tpu.wait_dma2 semaphore(%run_scoped3A_58 : memref<!tpu.dma_semaphore, #tpu.memory_space<semaphore_mem>>) src(%dma_wait3A_62 : memref<625x64xf32, #tpu.memory_space<hbm>>) dst(%dma_wait3A_61 : memref<625x64xf32, #tpu.memory_space<vmem_shared>>)
      tpu.yield
    }) : () -> ()
    "tpu.region"() ({
      %run_scoped3A_58 = tpu.sem_alloc : memref<!tpu.dma_semaphore, #tpu.memory_space<semaphore_mem>>
      tpu.enqueue_dma source(%arg4 : memref<128x64xf32, #tpu.memory_space<hbm>>) target(%arg8 : memref<128x64xf32, #tpu.memory_space<vmem>>) target_semaphore(%run_scoped3A_58 : memref<!tpu.dma_semaphore, #tpu.memory_space<semaphore_mem>>)
      tpu.wait_dma2 semaphore(%run_scoped3A_58 : memref<!tpu.dma_semaphore, #tpu.memory_space<semaphore_mem>>) src(%arg4 : memref<128x64xf32, #tpu.memory_space<hbm>>) dst(%arg8 : memref<128x64xf32, #tpu.memory_space<vmem>>)
      tpu.yield
    }) : () -> ()
    %mul3A_5 = arith.constant 632 : i32
    %mul3A_6 = arith.muli %arg1, %mul3A_5 : i32
    %add3A = arith.constant 0 : i32
    %add3A_7 = arith.addi %mul3A_6, %add3A : i32
    "tpu.region"() ({
      %run_scoped3A_58 = tpu.sem_alloc : memref<!tpu.dma_semaphore, #tpu.memory_space<semaphore_mem>>
      %dma_start3A = arith.constant 0 : i32
      %dma_start3A_59 = tpu.memref_slice %arg11[%add3A_7, %dma_start3A] : memref<10112x64xf32, #tpu.memory_space<vmem_shared>> -> memref<128x64xf32, #tpu.memory_space<vmem_shared>>
      %dma_start3A_60 = arith.constant 0 : i32
      %dma_start3A_61 = tpu.memref_slice %arg11[%add3A_7, %dma_start3A_60] : memref<10112x64xf32, #tpu.memory_space<vmem_shared>> -> memref<128x64xf32, #tpu.memory_space<vmem_shared>>
      tpu.enqueue_dma source(%arg8 : memref<128x64xf32, #tpu.memory_space<vmem>>) target(%dma_start3A_61 : memref<128x64xf32, #tpu.memory_space<vmem_shared>>) target_semaphore(%run_scoped3A_58 : memref<!tpu.dma_semaphore, #tpu.memory_space<semaphore_mem>>)
      %dma_wait3A = arith.constant 0 : i32
      %dma_wait3A_62 = tpu.memref_slice %arg11[%add3A_7, %dma_wait3A] : memref<10112x64xf32, #tpu.memory_space<vmem_shared>> -> memref<128x64xf32, #tpu.memory_space<vmem_shared>>
      %dma_wait3A_63 = arith.constant 0 : i32
      %dma_wait3A_64 = tpu.memref_slice %arg11[%add3A_7, %dma_wait3A_63] : memref<10112x64xf32, #tpu.memory_space<vmem_shared>> -> memref<128x64xf32, #tpu.memory_space<vmem_shared>>
      tpu.wait_dma2 semaphore(%run_scoped3A_58 : memref<!tpu.dma_semaphore, #tpu.memory_space<semaphore_mem>>) src(%arg8 : memref<128x64xf32, #tpu.memory_space<vmem>>) dst(%dma_wait3A_64 : memref<128x64xf32, #tpu.memory_space<vmem_shared>>)
      tpu.yield
    }) : () -> ()
    %add3A_8 = arith.constant 128 : i32
    %add3A_9 = arith.addi %mul3A_6, %add3A_8 : i32
    "tpu.region"() ({
      %run_scoped3A_58 = tpu.sem_alloc : memref<!tpu.dma_semaphore, #tpu.memory_space<semaphore_mem>>
      %dma_start3A = arith.constant 0 : i32
      %dma_start3A_59 = tpu.memref_slice %arg11[%add3A_9, %dma_start3A] : memref<10112x64xf32, #tpu.memory_space<vmem_shared>> -> memref<128x64xf32, #tpu.memory_space<vmem_shared>>
      %dma_start3A_60 = arith.constant 0 : i32
      %dma_start3A_61 = tpu.memref_slice %arg11[%add3A_9, %dma_start3A_60] : memref<10112x64xf32, #tpu.memory_space<vmem_shared>> -> memref<128x64xf32, #tpu.memory_space<vmem_shared>>
      tpu.enqueue_dma source(%arg8 : memref<128x64xf32, #tpu.memory_space<vmem>>) target(%dma_start3A_61 : memref<128x64xf32, #tpu.memory_space<vmem_shared>>) target_semaphore(%run_scoped3A_58 : memref<!tpu.dma_semaphore, #tpu.memory_space<semaphore_mem>>)
      %dma_wait3A = arith.constant 0 : i32
      %dma_wait3A_62 = tpu.memref_slice %arg11[%add3A_9, %dma_wait3A] : memref<10112x64xf32, #tpu.memory_space<vmem_shared>> -> memref<128x64xf32, #tpu.memory_space<vmem_shared>>
      %dma_wait3A_63 = arith.constant 0 : i32
      %dma_wait3A_64 = tpu.memref_slice %arg11[%add3A_9, %dma_wait3A_63] : memref<10112x64xf32, #tpu.memory_space<vmem_shared>> -> memref<128x64xf32, #tpu.memory_space<vmem_shared>>
      tpu.wait_dma2 semaphore(%run_scoped3A_58 : memref<!tpu.dma_semaphore, #tpu.memory_space<semaphore_mem>>) src(%arg8 : memref<128x64xf32, #tpu.memory_space<vmem>>) dst(%dma_wait3A_64 : memref<128x64xf32, #tpu.memory_space<vmem_shared>>)
      tpu.yield
    }) : () -> ()
    %add3A_10 = arith.constant 256 : i32
    %add3A_11 = arith.addi %mul3A_6, %add3A_10 : i32
    "tpu.region"() ({
      %run_scoped3A_58 = tpu.sem_alloc : memref<!tpu.dma_semaphore, #tpu.memory_space<semaphore_mem>>
      %dma_start3A = arith.constant 0 : i32
      %dma_start3A_59 = tpu.memref_slice %arg11[%add3A_11, %dma_start3A] : memref<10112x64xf32, #tpu.memory_space<vmem_shared>> -> memref<128x64xf32, #tpu.memory_space<vmem_shared>>
      %dma_start3A_60 = arith.constant 0 : i32
      %dma_start3A_61 = tpu.memref_slice %arg11[%add3A_11, %dma_start3A_60] : memref<10112x64xf32, #tpu.memory_space<vmem_shared>> -> memref<128x64xf32, #tpu.memory_space<vmem_shared>>
      tpu.enqueue_dma source(%arg8 : memref<128x64xf32, #tpu.memory_space<vmem>>) target(%dma_start3A_61 : memref<128x64xf32, #tpu.memory_space<vmem_shared>>) target_semaphore(%run_scoped3A_58 : memref<!tpu.dma_semaphore, #tpu.memory_space<semaphore_mem>>)
      %dma_wait3A = arith.constant 0 : i32
      %dma_wait3A_62 = tpu.memref_slice %arg11[%add3A_11, %dma_wait3A] : memref<10112x64xf32, #tpu.memory_space<vmem_shared>> -> memref<128x64xf32, #tpu.memory_space<vmem_shared>>
      %dma_wait3A_63 = arith.constant 0 : i32
      %dma_wait3A_64 = tpu.memref_slice %arg11[%add3A_11, %dma_wait3A_63] : memref<10112x64xf32, #tpu.memory_space<vmem_shared>> -> memref<128x64xf32, #tpu.memory_space<vmem_shared>>
      tpu.wait_dma2 semaphore(%run_scoped3A_58 : memref<!tpu.dma_semaphore, #tpu.memory_space<semaphore_mem>>) src(%arg8 : memref<128x64xf32, #tpu.memory_space<vmem>>) dst(%dma_wait3A_64 : memref<128x64xf32, #tpu.memory_space<vmem_shared>>)
      tpu.yield
    }) : () -> ()
    %add3A_12 = arith.constant 384 : i32
    %add3A_13 = arith.addi %mul3A_6, %add3A_12 : i32
    "tpu.region"() ({
      %run_scoped3A_58 = tpu.sem_alloc : memref<!tpu.dma_semaphore, #tpu.memory_space<semaphore_mem>>
      %dma_start3A = arith.constant 0 : i32
      %dma_start3A_59 = tpu.memref_slice %arg11[%add3A_13, %dma_start3A] : memref<10112x64xf32, #tpu.memory_space<vmem_shared>> -> memref<128x64xf32, #tpu.memory_space<vmem_shared>>
      %dma_start3A_60 = arith.constant 0 : i32
      %dma_start3A_61 = tpu.memref_slice %arg11[%add3A_13, %dma_start3A_60] : memref<10112x64xf32, #tpu.memory_space<vmem_shared>> -> memref<128x64xf32, #tpu.memory_space<vmem_shared>>
      tpu.enqueue_dma source(%arg8 : memref<128x64xf32, #tpu.memory_space<vmem>>) target(%dma_start3A_61 : memref<128x64xf32, #tpu.memory_space<vmem_shared>>) target_semaphore(%run_scoped3A_58 : memref<!tpu.dma_semaphore, #tpu.memory_space<semaphore_mem>>)
      %dma_wait3A = arith.constant 0 : i32
      %dma_wait3A_62 = tpu.memref_slice %arg11[%add3A_13, %dma_wait3A] : memref<10112x64xf32, #tpu.memory_space<vmem_shared>> -> memref<128x64xf32, #tpu.memory_space<vmem_shared>>
      %dma_wait3A_63 = arith.constant 0 : i32
      %dma_wait3A_64 = tpu.memref_slice %arg11[%add3A_13, %dma_wait3A_63] : memref<10112x64xf32, #tpu.memory_space<vmem_shared>> -> memref<128x64xf32, #tpu.memory_space<vmem_shared>>
      tpu.wait_dma2 semaphore(%run_scoped3A_58 : memref<!tpu.dma_semaphore, #tpu.memory_space<semaphore_mem>>) src(%arg8 : memref<128x64xf32, #tpu.memory_space<vmem>>) dst(%dma_wait3A_64 : memref<128x64xf32, #tpu.memory_space<vmem_shared>>)
      tpu.yield
    }) : () -> ()
    %add3A_14 = arith.constant 512 : i32
    %add3A_15 = arith.addi %mul3A_6, %add3A_14 : i32
    "tpu.region"() ({
      %run_scoped3A_58 = tpu.sem_alloc : memref<!tpu.dma_semaphore, #tpu.memory_space<semaphore_mem>>
      %dma_start3A = arith.constant 0 : i32
      %dma_start3A_59 = arith.constant 0 : i32
      %dma_start3A_60 = tpu.memref_slice %arg8[%dma_start3A, %dma_start3A_59] : memref<128x64xf32, #tpu.memory_space<vmem>> -> memref<120x64xf32, #tpu.memory_space<vmem>>
      %dma_start3A_61 = arith.constant 0 : i32
      %dma_start3A_62 = tpu.memref_slice %arg11[%add3A_15, %dma_start3A_61] : memref<10112x64xf32, #tpu.memory_space<vmem_shared>> -> memref<120x64xf32, #tpu.memory_space<vmem_shared>>
      %dma_start3A_63 = arith.constant 0 : i32
      %dma_start3A_64 = tpu.memref_slice %arg11[%add3A_15, %dma_start3A_63] : memref<10112x64xf32, #tpu.memory_space<vmem_shared>> -> memref<120x64xf32, #tpu.memory_space<vmem_shared>>
      %dma_start3A_65 = arith.constant 0 : i32
      %dma_start3A_66 = arith.constant 0 : i32
      %dma_start3A_67 = tpu.memref_slice %arg8[%dma_start3A_65, %dma_start3A_66] : memref<128x64xf32, #tpu.memory_space<vmem>> -> memref<120x64xf32, #tpu.memory_space<vmem>>
      tpu.enqueue_dma source(%dma_start3A_67 : memref<120x64xf32, #tpu.memory_space<vmem>>) target(%dma_start3A_64 : memref<120x64xf32, #tpu.memory_space<vmem_shared>>) target_semaphore(%run_scoped3A_58 : memref<!tpu.dma_semaphore, #tpu.memory_space<semaphore_mem>>)
      %dma_wait3A = arith.constant 0 : i32
      %dma_wait3A_68 = arith.constant 0 : i32
      %dma_wait3A_69 = tpu.memref_slice %arg8[%dma_wait3A, %dma_wait3A_68] : memref<128x64xf32, #tpu.memory_space<vmem>> -> memref<120x64xf32, #tpu.memory_space<vmem>>
      %dma_wait3A_70 = arith.constant 0 : i32
      %dma_wait3A_71 = tpu.memref_slice %arg11[%add3A_15, %dma_wait3A_70] : memref<10112x64xf32, #tpu.memory_space<vmem_shared>> -> memref<120x64xf32, #tpu.memory_space<vmem_shared>>
      %dma_wait3A_72 = arith.constant 0 : i32
      %dma_wait3A_73 = tpu.memref_slice %arg11[%add3A_15, %dma_wait3A_72] : memref<10112x64xf32, #tpu.memory_space<vmem_shared>> -> memref<120x64xf32, #tpu.memory_space<vmem_shared>>
      %dma_wait3A_74 = arith.constant 0 : i32
      %dma_wait3A_75 = arith.constant 0 : i32
      %dma_wait3A_76 = tpu.memref_slice %arg8[%dma_wait3A_74, %dma_wait3A_75] : memref<128x64xf32, #tpu.memory_space<vmem>> -> memref<120x64xf32, #tpu.memory_space<vmem>>
      tpu.wait_dma2 semaphore(%run_scoped3A_58 : memref<!tpu.dma_semaphore, #tpu.memory_space<semaphore_mem>>) src(%dma_wait3A_76 : memref<120x64xf32, #tpu.memory_space<vmem>>) dst(%dma_wait3A_73 : memref<120x64xf32, #tpu.memory_space<vmem_shared>>)
      tpu.yield
    }) : () -> ()
    %barrier3A = arith.constant 0 : index
    tpu.barrier barrier_id(%barrier3A)
    %run_scoped3A = arith.constant 0 : i32
    %run_scoped3A_16 = arith.constant 0 : i32
    %run_scoped3A_17 = arith.constant 0 : i32
    "tpu.region"() ({
      %run_scoped3A_58 = tpu.sem_alloc : memref<!tpu.dma_semaphore, #tpu.memory_space<semaphore_mem>>
      %dma_start3A = arith.constant 0 : i32
      %dma_start3A_59 = arith.constant 0 : i32
      %dma_start3A_60 = tpu.memref_slice %arg6[%run_scoped3A_17, %dma_start3A, %dma_start3A_59] : memref<2x8x128xi32, #tpu.memory_space<vmem>> -> memref<1x8x128xi32, #tpu.memory_space<vmem>>
      %dma_start3A_61 = tpu.memref_squeeze %dma_start3A_60 : memref<1x8x128xi32, #tpu.memory_space<vmem>> -> memref<8x128xi32, #tpu.memory_space<vmem>>
      %dma_start3A_62 = arith.constant 0 : i32
      %dma_start3A_63 = arith.constant 0 : i32
      %dma_start3A_64 = tpu.memref_slice %arg3[%run_scoped3A, %arg1, %run_scoped3A_16, %dma_start3A_62, %dma_start3A_63] : memref<2x16x20x8x128xi32, #tpu.memory_space<hbm>> -> memref<1x1x1x8x128xi32, #tpu.memory_space<hbm>>
      %dma_start3A_65 = tpu.memref_squeeze %dma_start3A_64 : memref<1x1x1x8x128xi32, #tpu.memory_space<hbm>> -> memref<8x128xi32, #tpu.memory_space<hbm>>
      %dma_start3A_66 = arith.constant 0 : i32
      %dma_start3A_67 = arith.constant 0 : i32
      %dma_start3A_68 = tpu.memref_slice %arg6[%run_scoped3A_17, %dma_start3A_66, %dma_start3A_67] : memref<2x8x128xi32, #tpu.memory_space<vmem>> -> memref<1x8x128xi32, #tpu.memory_space<vmem>>
      %dma_start3A_69 = tpu.memref_squeeze %dma_start3A_68 : memref<1x8x128xi32, #tpu.memory_space<vmem>> -> memref<8x128xi32, #tpu.memory_space<vmem>>
      %dma_start3A_70 = arith.constant 0 : i32
      %dma_start3A_71 = arith.constant 0 : i32
      %dma_start3A_72 = tpu.memref_slice %arg3[%run_scoped3A, %arg1, %run_scoped3A_16, %dma_start3A_70, %dma_start3A_71] : memref<2x16x20x8x128xi32, #tpu.memory_space<hbm>> -> memref<1x1x1x8x128xi32, #tpu.memory_space<hbm>>
      %dma_start3A_73 = tpu.memref_squeeze %dma_start3A_72 : memref<1x1x1x8x128xi32, #tpu.memory_space<hbm>> -> memref<8x128xi32, #tpu.memory_space<hbm>>
      tpu.enqueue_dma source(%dma_start3A_73 : memref<8x128xi32, #tpu.memory_space<hbm>>) target(%dma_start3A_69 : memref<8x128xi32, #tpu.memory_space<vmem>>) target_semaphore(%run_scoped3A_58 : memref<!tpu.dma_semaphore, #tpu.memory_space<semaphore_mem>>)
      %dma_wait3A = arith.constant 0 : i32
      %dma_wait3A_74 = arith.constant 0 : i32
      %dma_wait3A_75 = tpu.memref_slice %arg6[%run_scoped3A_17, %dma_wait3A, %dma_wait3A_74] : memref<2x8x128xi32, #tpu.memory_space<vmem>> -> memref<1x8x128xi32, #tpu.memory_space<vmem>>
      %dma_wait3A_76 = tpu.memref_squeeze %dma_wait3A_75 : memref<1x8x128xi32, #tpu.memory_space<vmem>> -> memref<8x128xi32, #tpu.memory_space<vmem>>
      %dma_wait3A_77 = arith.constant 0 : i32
      %dma_wait3A_78 = arith.constant 0 : i32
      %dma_wait3A_79 = tpu.memref_slice %arg3[%run_scoped3A, %arg1, %run_scoped3A_16, %dma_wait3A_77, %dma_wait3A_78] : memref<2x16x20x8x128xi32, #tpu.memory_space<hbm>> -> memref<1x1x1x8x128xi32, #tpu.memory_space<hbm>>
      %dma_wait3A_80 = tpu.memref_squeeze %dma_wait3A_79 : memref<1x1x1x8x128xi32, #tpu.memory_space<hbm>> -> memref<8x128xi32, #tpu.memory_space<hbm>>
      %dma_wait3A_81 = arith.constant 0 : i32
      %dma_wait3A_82 = arith.constant 0 : i32
      %dma_wait3A_83 = tpu.memref_slice %arg6[%run_scoped3A_17, %dma_wait3A_81, %dma_wait3A_82] : memref<2x8x128xi32, #tpu.memory_space<vmem>> -> memref<1x8x128xi32, #tpu.memory_space<vmem>>
      %dma_wait3A_84 = tpu.memref_squeeze %dma_wait3A_83 : memref<1x8x128xi32, #tpu.memory_space<vmem>> -> memref<8x128xi32, #tpu.memory_space<vmem>>
      %dma_wait3A_85 = arith.constant 0 : i32
      %dma_wait3A_86 = arith.constant 0 : i32
      %dma_wait3A_87 = tpu.memref_slice %arg3[%run_scoped3A, %arg1, %run_scoped3A_16, %dma_wait3A_85, %dma_wait3A_86] : memref<2x16x20x8x128xi32, #tpu.memory_space<hbm>> -> memref<1x1x1x8x128xi32, #tpu.memory_space<hbm>>
      %dma_wait3A_88 = tpu.memref_squeeze %dma_wait3A_87 : memref<1x1x1x8x128xi32, #tpu.memory_space<hbm>> -> memref<8x128xi32, #tpu.memory_space<hbm>>
      tpu.wait_dma2 semaphore(%run_scoped3A_58 : memref<!tpu.dma_semaphore, #tpu.memory_space<semaphore_mem>>) src(%dma_wait3A_88 : memref<8x128xi32, #tpu.memory_space<hbm>>) dst(%dma_wait3A_84 : memref<8x128xi32, #tpu.memory_space<vmem>>)
      tpu.yield
    }) : () -> ()
    %run_scoped3A_18 = arith.constant 1 : i32
    %run_scoped3A_19 = arith.constant 0 : i32
    %run_scoped3A_20 = arith.constant 0 : i32
    "tpu.region"() ({
      %run_scoped3A_58 = tpu.sem_alloc : memref<!tpu.dma_semaphore, #tpu.memory_space<semaphore_mem>>
      %dma_start3A = arith.constant 0 : i32
      %dma_start3A_59 = arith.constant 0 : i32
      %dma_start3A_60 = tpu.memref_slice %arg7[%run_scoped3A_20, %dma_start3A, %dma_start3A_59] : memref<2x8x128xi32, #tpu.memory_space<vmem>> -> memref<1x8x128xi32, #tpu.memory_space<vmem>>
      %dma_start3A_61 = tpu.memref_squeeze %dma_start3A_60 : memref<1x8x128xi32, #tpu.memory_space<vmem>> -> memref<8x128xi32, #tpu.memory_space<vmem>>
      %dma_start3A_62 = arith.constant 0 : i32
      %dma_start3A_63 = arith.constant 0 : i32
      %dma_start3A_64 = tpu.memref_slice %arg3[%run_scoped3A_18, %arg1, %run_scoped3A_19, %dma_start3A_62, %dma_start3A_63] : memref<2x16x20x8x128xi32, #tpu.memory_space<hbm>> -> memref<1x1x1x8x128xi32, #tpu.memory_space<hbm>>
      %dma_start3A_65 = tpu.memref_squeeze %dma_start3A_64 : memref<1x1x1x8x128xi32, #tpu.memory_space<hbm>> -> memref<8x128xi32, #tpu.memory_space<hbm>>
      %dma_start3A_66 = arith.constant 0 : i32
      %dma_start3A_67 = arith.constant 0 : i32
      %dma_start3A_68 = tpu.memref_slice %arg7[%run_scoped3A_20, %dma_start3A_66, %dma_start3A_67] : memref<2x8x128xi32, #tpu.memory_space<vmem>> -> memref<1x8x128xi32, #tpu.memory_space<vmem>>
      %dma_start3A_69 = tpu.memref_squeeze %dma_start3A_68 : memref<1x8x128xi32, #tpu.memory_space<vmem>> -> memref<8x128xi32, #tpu.memory_space<vmem>>
      %dma_start3A_70 = arith.constant 0 : i32
      %dma_start3A_71 = arith.constant 0 : i32
      %dma_start3A_72 = tpu.memref_slice %arg3[%run_scoped3A_18, %arg1, %run_scoped3A_19, %dma_start3A_70, %dma_start3A_71] : memref<2x16x20x8x128xi32, #tpu.memory_space<hbm>> -> memref<1x1x1x8x128xi32, #tpu.memory_space<hbm>>
      %dma_start3A_73 = tpu.memref_squeeze %dma_start3A_72 : memref<1x1x1x8x128xi32, #tpu.memory_space<hbm>> -> memref<8x128xi32, #tpu.memory_space<hbm>>
      tpu.enqueue_dma source(%dma_start3A_73 : memref<8x128xi32, #tpu.memory_space<hbm>>) target(%dma_start3A_69 : memref<8x128xi32, #tpu.memory_space<vmem>>) target_semaphore(%run_scoped3A_58 : memref<!tpu.dma_semaphore, #tpu.memory_space<semaphore_mem>>)
      %dma_wait3A = arith.constant 0 : i32
      %dma_wait3A_74 = arith.constant 0 : i32
      %dma_wait3A_75 = tpu.memref_slice %arg7[%run_scoped3A_20, %dma_wait3A, %dma_wait3A_74] : memref<2x8x128xi32, #tpu.memory_space<vmem>> -> memref<1x8x128xi32, #tpu.memory_space<vmem>>
      %dma_wait3A_76 = tpu.memref_squeeze %dma_wait3A_75 : memref<1x8x128xi32, #tpu.memory_space<vmem>> -> memref<8x128xi32, #tpu.memory_space<vmem>>
      %dma_wait3A_77 = arith.constant 0 : i32
      %dma_wait3A_78 = arith.constant 0 : i32
      %dma_wait3A_79 = tpu.memref_slice %arg3[%run_scoped3A_18, %arg1, %run_scoped3A_19, %dma_wait3A_77, %dma_wait3A_78] : memref<2x16x20x8x128xi32, #tpu.memory_space<hbm>> -> memref<1x1x1x8x128xi32, #tpu.memory_space<hbm>>
      %dma_wait3A_80 = tpu.memref_squeeze %dma_wait3A_79 : memref<1x1x1x8x128xi32, #tpu.memory_space<hbm>> -> memref<8x128xi32, #tpu.memory_space<hbm>>
      %dma_wait3A_81 = arith.constant 0 : i32
      %dma_wait3A_82 = arith.constant 0 : i32
      %dma_wait3A_83 = tpu.memref_slice %arg7[%run_scoped3A_20, %dma_wait3A_81, %dma_wait3A_82] : memref<2x8x128xi32, #tpu.memory_space<vmem>> -> memref<1x8x128xi32, #tpu.memory_space<vmem>>
      %dma_wait3A_84 = tpu.memref_squeeze %dma_wait3A_83 : memref<1x8x128xi32, #tpu.memory_space<vmem>> -> memref<8x128xi32, #tpu.memory_space<vmem>>
      %dma_wait3A_85 = arith.constant 0 : i32
      %dma_wait3A_86 = arith.constant 0 : i32
      %dma_wait3A_87 = tpu.memref_slice %arg3[%run_scoped3A_18, %arg1, %run_scoped3A_19, %dma_wait3A_85, %dma_wait3A_86] : memref<2x16x20x8x128xi32, #tpu.memory_space<hbm>> -> memref<1x1x1x8x128xi32, #tpu.memory_space<hbm>>
      %dma_wait3A_88 = tpu.memref_squeeze %dma_wait3A_87 : memref<1x1x1x8x128xi32, #tpu.memory_space<hbm>> -> memref<8x128xi32, #tpu.memory_space<hbm>>
      tpu.wait_dma2 semaphore(%run_scoped3A_58 : memref<!tpu.dma_semaphore, #tpu.memory_space<semaphore_mem>>) src(%dma_wait3A_88 : memref<8x128xi32, #tpu.memory_space<hbm>>) dst(%dma_wait3A_84 : memref<8x128xi32, #tpu.memory_space<vmem>>)
      tpu.yield
    }) : () -> ()
    %scan3A = arith.constant 0 : i32
    %scan3A_21 = arith.constant 0 : i32
    %scan3A_22 = arith.constant 20 : i32
    %scan3A_23 = arith.addi %scan3A_21, %scan3A_22 : i32
    %scan3A_24 = arith.constant 1 : i32
    %scan3A_25 = scf.for %scan3A_58 = %scan3A_21 to %scan3A_23 step %scan3A_24 iter_args(%scan3A_59 = %scan3A) -> (i32)  : i32 {
      %jit3A = arith.constant 2 : i32
      %eq3A = arith.constant 0 : i32
      %eq3A_60 = arith.cmpi eq, %jit3A, %eq3A : i32
      %jit3A_61 = arith.constant 1 : i32
      %select_n3A = arith.select %eq3A_60, %jit3A_61, %jit3A : i32
      %rem3A = arith.remsi %scan3A_58, %select_n3A : i32
      %ne3A = arith.constant 0 : i32
      %ne3A_62 = arith.cmpi ne, %rem3A, %ne3A : i32
      %lt3A = arith.constant 0 : i32
      %lt3A_63 = arith.cmpi slt, %rem3A, %lt3A : i32
      %lt3A_64 = arith.constant 0 : i32
      %lt3A_65 = arith.cmpi slt, %select_n3A, %lt3A_64 : i32
      %ne3A_66 = arith.xori %lt3A_63, %lt3A_65 : i1
      %and3A = arith.andi %ne3A_66, %ne3A_62 : i1
      %add3A_67 = arith.addi %rem3A, %select_n3A : i32
      %select_n3A_68 = arith.select %and3A, %add3A_67, %rem3A : i32
      %add3A_69 = arith.constant 1 : i32
      %add3A_70 = arith.addi %scan3A_58, %add3A_69 : i32
      %lt3A_71 = arith.constant 20 : i32
      %lt3A_72 = arith.cmpi slt, %add3A_70, %lt3A_71 : i32
      %convert_element_type3A = arith.extui %lt3A_72 : i1 to i32
      %cond3A = arith.constant 0 : i32
      %cond3A_73 = arith.cmpi ne, %convert_element_type3A, %cond3A : i32
      scf.if %cond3A_73 {
        %add3A_208 = arith.constant 1 : i32
        %add3A_209 = arith.addi %scan3A_58, %add3A_208 : i32
        %sub3A = arith.constant 1 : i32
        %sub3A_210 = arith.subi %sub3A, %select_n3A_68 : i32
        %dma_start3A_211 = arith.constant 0 : i32
        %dma_start3A_212 = arith.constant 0 : i32
        %dma_start3A_213 = arith.constant 0 : i32
        %dma_start3A_214 = tpu.memref_slice %arg6[%sub3A_210, %dma_start3A_212, %dma_start3A_213] : memref<2x8x128xi32, #tpu.memory_space<vmem>> -> memref<1x8x128xi32, #tpu.memory_space<vmem>>
        %dma_start3A_215 = tpu.memref_squeeze %dma_start3A_214 : memref<1x8x128xi32, #tpu.memory_space<vmem>> -> memref<8x128xi32, #tpu.memory_space<vmem>>
        %dma_start3A_216 = arith.constant 0 : i32
        %dma_start3A_217 = arith.constant 0 : i32
        %dma_start3A_218 = tpu.memref_slice %arg3[%dma_start3A_211, %arg1, %add3A_209, %dma_start3A_216, %dma_start3A_217] : memref<2x16x20x8x128xi32, #tpu.memory_space<hbm>> -> memref<1x1x1x8x128xi32, #tpu.memory_space<hbm>>
        %dma_start3A_219 = tpu.memref_squeeze %dma_start3A_218 : memref<1x1x1x8x128xi32, #tpu.memory_space<hbm>> -> memref<8x128xi32, #tpu.memory_space<hbm>>
        %dma_start3A_220 = arith.constant 0 : i32
        %dma_start3A_221 = arith.constant 0 : i32
        %dma_start3A_222 = tpu.memref_slice %arg6[%sub3A_210, %dma_start3A_220, %dma_start3A_221] : memref<2x8x128xi32, #tpu.memory_space<vmem>> -> memref<1x8x128xi32, #tpu.memory_space<vmem>>
        %dma_start3A_223 = tpu.memref_squeeze %dma_start3A_222 : memref<1x8x128xi32, #tpu.memory_space<vmem>> -> memref<8x128xi32, #tpu.memory_space<vmem>>
        %dma_start3A_224 = arith.constant 0 : i32
        %dma_start3A_225 = arith.constant 0 : i32
        %dma_start3A_226 = tpu.memref_slice %arg3[%dma_start3A_211, %arg1, %add3A_209, %dma_start3A_224, %dma_start3A_225] : memref<2x16x20x8x128xi32, #tpu.memory_space<hbm>> -> memref<1x1x1x8x128xi32, #tpu.memory_space<hbm>>
        %dma_start3A_227 = tpu.memref_squeeze %dma_start3A_226 : memref<1x1x1x8x128xi32, #tpu.memory_space<hbm>> -> memref<8x128xi32, #tpu.memory_space<hbm>>
        tpu.enqueue_dma source(%dma_start3A_227 : memref<8x128xi32, #tpu.memory_space<hbm>>) target(%dma_start3A_223 : memref<8x128xi32, #tpu.memory_space<vmem>>) target_semaphore(%arg14 : memref<!tpu.dma_semaphore, #tpu.memory_space<semaphore_mem>>)
        %add3A_228 = arith.constant 1 : i32
        %add3A_229 = arith.addi %scan3A_58, %add3A_228 : i32
        %sub3A_230 = arith.constant 1 : i32
        %sub3A_231 = arith.subi %sub3A_230, %select_n3A_68 : i32
        %dma_start3A_232 = arith.constant 1 : i32
        %dma_start3A_233 = arith.constant 0 : i32
        %dma_start3A_234 = arith.constant 0 : i32
        %dma_start3A_235 = tpu.memref_slice %arg7[%sub3A_231, %dma_start3A_233, %dma_start3A_234] : memref<2x8x128xi32, #tpu.memory_space<vmem>> -> memref<1x8x128xi32, #tpu.memory_space<vmem>>
        %dma_start3A_236 = tpu.memref_squeeze %dma_start3A_235 : memref<1x8x128xi32, #tpu.memory_space<vmem>> -> memref<8x128xi32, #tpu.memory_space<vmem>>
        %dma_start3A_237 = arith.constant 0 : i32
        %dma_start3A_238 = arith.constant 0 : i32
        %dma_start3A_239 = tpu.memref_slice %arg3[%dma_start3A_232, %arg1, %add3A_229, %dma_start3A_237, %dma_start3A_238] : memref<2x16x20x8x128xi32, #tpu.memory_space<hbm>> -> memref<1x1x1x8x128xi32, #tpu.memory_space<hbm>>
        %dma_start3A_240 = tpu.memref_squeeze %dma_start3A_239 : memref<1x1x1x8x128xi32, #tpu.memory_space<hbm>> -> memref<8x128xi32, #tpu.memory_space<hbm>>
        %dma_start3A_241 = arith.constant 0 : i32
        %dma_start3A_242 = arith.constant 0 : i32
        %dma_start3A_243 = tpu.memref_slice %arg7[%sub3A_231, %dma_start3A_241, %dma_start3A_242] : memref<2x8x128xi32, #tpu.memory_space<vmem>> -> memref<1x8x128xi32, #tpu.memory_space<vmem>>
        %dma_start3A_244 = tpu.memref_squeeze %dma_start3A_243 : memref<1x8x128xi32, #tpu.memory_space<vmem>> -> memref<8x128xi32, #tpu.memory_space<vmem>>
        %dma_start3A_245 = arith.constant 0 : i32
        %dma_start3A_246 = arith.constant 0 : i32
        %dma_start3A_247 = tpu.memref_slice %arg3[%dma_start3A_232, %arg1, %add3A_229, %dma_start3A_245, %dma_start3A_246] : memref<2x16x20x8x128xi32, #tpu.memory_space<hbm>> -> memref<1x1x1x8x128xi32, #tpu.memory_space<hbm>>
        %dma_start3A_248 = tpu.memref_squeeze %dma_start3A_247 : memref<1x1x1x8x128xi32, #tpu.memory_space<hbm>> -> memref<8x128xi32, #tpu.memory_space<hbm>>
        tpu.enqueue_dma source(%dma_start3A_248 : memref<8x128xi32, #tpu.memory_space<hbm>>) target(%dma_start3A_244 : memref<8x128xi32, #tpu.memory_space<vmem>>) target_semaphore(%arg15 : memref<!tpu.dma_semaphore, #tpu.memory_space<semaphore_mem>>)
      } else {
      }
      %dma_start3A = arith.constant 0 : i32
      %dma_start3A_74 = arith.constant 0 : i32
      %dma_start3A_75 = tpu.memref_slice %arg6[%select_n3A_68, %dma_start3A, %dma_start3A_74] : memref<2x8x128xi32, #tpu.memory_space<vmem>> -> memref<1x1x128xi32, #tpu.memory_space<vmem>>
      %dma_start3A_76 = tpu.memref_squeeze %dma_start3A_75 : memref<1x1x128xi32, #tpu.memory_space<vmem>> -> memref<128xi32, #tpu.memory_space<vmem>>
      %dma_start3A_77 = arith.constant 0 : i32
      %dma_start3A_78 = arith.constant 0 : i32
      %dma_start3A_79 = tpu.memref_slice %arg10[%dma_start3A_77, %dma_start3A_78] : memref<10000x64xf32, #tpu.memory_space<vmem_shared>> -> memref<10000x64xf32, #tpu.memory_space<vmem_shared>>
      tpu.enqueue_indirect_dma source(%dma_start3A_79 : memref<10000x64xf32, #tpu.memory_space<vmem_shared>>) target(%arg8 : memref<128x64xf32, #tpu.memory_space<vmem>>) offsets(%dma_start3A_76 : memref<128xi32, #tpu.memory_space<vmem>>) semaphore(%arg12 : memref<!tpu.dma_semaphore, #tpu.memory_space<semaphore_mem>>)
      %dma_start3A_80 = arith.constant 1 : i32
      %dma_start3A_81 = arith.constant 0 : i32
      %dma_start3A_82 = tpu.memref_slice %arg6[%select_n3A_68, %dma_start3A_80, %dma_start3A_81] : memref<2x8x128xi32, #tpu.memory_space<vmem>> -> memref<1x1x128xi32, #tpu.memory_space<vmem>>
      %dma_start3A_83 = tpu.memref_squeeze %dma_start3A_82 : memref<1x1x128xi32, #tpu.memory_space<vmem>> -> memref<128xi32, #tpu.memory_space<vmem>>
      %dma_start3A_84 = arith.constant 0 : i32
      %dma_start3A_85 = arith.constant 0 : i32
      %dma_start3A_86 = tpu.memref_slice %arg10[%dma_start3A_84, %dma_start3A_85] : memref<10000x64xf32, #tpu.memory_space<vmem_shared>> -> memref<10000x64xf32, #tpu.memory_space<vmem_shared>>
      tpu.enqueue_indirect_dma source(%dma_start3A_86 : memref<10000x64xf32, #tpu.memory_space<vmem_shared>>) target(%arg9 : memref<128x64xf32, #tpu.memory_space<vmem>>) offsets(%dma_start3A_83 : memref<128xi32, #tpu.memory_space<vmem>>) semaphore(%arg13 : memref<!tpu.dma_semaphore, #tpu.memory_space<semaphore_mem>>)
      %dma_wait3A = arith.constant 0 : i32
      %dma_wait3A_87 = arith.constant 0 : i32
      %dma_wait3A_88 = arith.constant 0 : i32
      %dma_wait3A_89 = tpu.memref_slice %arg6[%dma_wait3A, %dma_wait3A_87, %dma_wait3A_88] : memref<2x8x128xi32, #tpu.memory_space<vmem>> -> memref<1x1x128xi32, #tpu.memory_space<vmem>>
      %dma_wait3A_90 = tpu.memref_squeeze %dma_wait3A_89 : memref<1x1x128xi32, #tpu.memory_space<vmem>> -> memref<128xi32, #tpu.memory_space<vmem>>
      %dma_wait3A_91 = arith.constant 0 : i32
      %dma_wait3A_92 = arith.constant 0 : i32
      %dma_wait3A_93 = tpu.memref_slice %arg10[%dma_wait3A_91, %dma_wait3A_92] : memref<10000x64xf32, #tpu.memory_space<vmem_shared>> -> memref<10000x64xf32, #tpu.memory_space<vmem_shared>>
      tpu.wait_indirect_dma semaphore(%arg12 : memref<!tpu.dma_semaphore, #tpu.memory_space<semaphore_mem>>) src(%dma_wait3A_93 : memref<10000x64xf32, #tpu.memory_space<vmem_shared>>) dst(%arg8 : memref<128x64xf32, #tpu.memory_space<vmem>>)
      %run_scoped3A_94 = arith.constant 0 : i32
      "tpu.region"() ({
        %run_scoped3A_208 = tpu.sem_alloc : memref<!tpu.dma_semaphore, #tpu.memory_space<semaphore_mem>>
        %dma_start3A_209 = arith.constant 0 : i32
        %dma_start3A_210 = tpu.memref_slice %arg7[%select_n3A_68, %run_scoped3A_94, %dma_start3A_209] : memref<2x8x128xi32, #tpu.memory_space<vmem>> -> memref<1x1x128xi32, #tpu.memory_space<vmem>>
        %dma_start3A_211 = tpu.memref_squeeze %dma_start3A_210 : memref<1x1x128xi32, #tpu.memory_space<vmem>> -> memref<128xi32, #tpu.memory_space<vmem>>
        %dma_start3A_212 = arith.constant 0 : i32
        %dma_start3A_213 = arith.constant 0 : i32
        %dma_start3A_214 = tpu.memref_slice %arg11[%dma_start3A_212, %dma_start3A_213] : memref<10112x64xf32, #tpu.memory_space<vmem_shared>> -> memref<10112x64xf32, #tpu.memory_space<vmem_shared>>
        tpu.enqueue_indirect_dma source(%arg8 : memref<128x64xf32, #tpu.memory_space<vmem>>) target(%dma_start3A_214 : memref<10112x64xf32, #tpu.memory_space<vmem_shared>>) offsets(%dma_start3A_211 : memref<128xi32, #tpu.memory_space<vmem>>) semaphore(%run_scoped3A_208 : memref<!tpu.dma_semaphore, #tpu.memory_space<semaphore_mem>>) {add = true}
        %dma_wait3A_215 = arith.constant 0 : i32
        %dma_wait3A_216 = tpu.memref_slice %arg7[%select_n3A_68, %run_scoped3A_94, %dma_wait3A_215] : memref<2x8x128xi32, #tpu.memory_space<vmem>> -> memref<1x1x128xi32, #tpu.memory_space<vmem>>
        %dma_wait3A_217 = tpu.memref_squeeze %dma_wait3A_216 : memref<1x1x128xi32, #tpu.memory_space<vmem>> -> memref<128xi32, #tpu.memory_space<vmem>>
        %dma_wait3A_218 = arith.constant 0 : i32
        %dma_wait3A_219 = arith.constant 0 : i32
        %dma_wait3A_220 = tpu.memref_slice %arg11[%dma_wait3A_218, %dma_wait3A_219] : memref<10112x64xf32, #tpu.memory_space<vmem_shared>> -> memref<10112x64xf32, #tpu.memory_space<vmem_shared>>
        tpu.wait_indirect_dma semaphore(%run_scoped3A_208 : memref<!tpu.dma_semaphore, #tpu.memory_space<semaphore_mem>>) src(%arg8 : memref<128x64xf32, #tpu.memory_space<vmem>>) dst(%dma_wait3A_220 : memref<10112x64xf32, #tpu.memory_space<vmem_shared>>)
        tpu.yield
      }) : () -> ()
      %dma_start3A_95 = arith.constant 2 : i32
      %dma_start3A_96 = arith.constant 0 : i32
      %dma_start3A_97 = tpu.memref_slice %arg6[%select_n3A_68, %dma_start3A_95, %dma_start3A_96] : memref<2x8x128xi32, #tpu.memory_space<vmem>> -> memref<1x1x128xi32, #tpu.memory_space<vmem>>
      %dma_start3A_98 = tpu.memref_squeeze %dma_start3A_97 : memref<1x1x128xi32, #tpu.memory_space<vmem>> -> memref<128xi32, #tpu.memory_space<vmem>>
      %dma_start3A_99 = arith.constant 0 : i32
      %dma_start3A_100 = arith.constant 0 : i32
      %dma_start3A_101 = tpu.memref_slice %arg10[%dma_start3A_99, %dma_start3A_100] : memref<10000x64xf32, #tpu.memory_space<vmem_shared>> -> memref<10000x64xf32, #tpu.memory_space<vmem_shared>>
      tpu.enqueue_indirect_dma source(%dma_start3A_101 : memref<10000x64xf32, #tpu.memory_space<vmem_shared>>) target(%arg8 : memref<128x64xf32, #tpu.memory_space<vmem>>) offsets(%dma_start3A_98 : memref<128xi32, #tpu.memory_space<vmem>>) semaphore(%arg12 : memref<!tpu.dma_semaphore, #tpu.memory_space<semaphore_mem>>)
      %dma_wait3A_102 = arith.constant 0 : i32
      %dma_wait3A_103 = arith.constant 0 : i32
      %dma_wait3A_104 = arith.constant 0 : i32
      %dma_wait3A_105 = tpu.memref_slice %arg6[%dma_wait3A_102, %dma_wait3A_103, %dma_wait3A_104] : memref<2x8x128xi32, #tpu.memory_space<vmem>> -> memref<1x1x128xi32, #tpu.memory_space<vmem>>
      %dma_wait3A_106 = tpu.memref_squeeze %dma_wait3A_105 : memref<1x1x128xi32, #tpu.memory_space<vmem>> -> memref<128xi32, #tpu.memory_space<vmem>>
      %dma_wait3A_107 = arith.constant 0 : i32
      %dma_wait3A_108 = arith.constant 0 : i32
      %dma_wait3A_109 = tpu.memref_slice %arg10[%dma_wait3A_107, %dma_wait3A_108] : memref<10000x64xf32, #tpu.memory_space<vmem_shared>> -> memref<10000x64xf32, #tpu.memory_space<vmem_shared>>
      tpu.wait_indirect_dma semaphore(%arg13 : memref<!tpu.dma_semaphore, #tpu.memory_space<semaphore_mem>>) src(%dma_wait3A_109 : memref<10000x64xf32, #tpu.memory_space<vmem_shared>>) dst(%arg9 : memref<128x64xf32, #tpu.memory_space<vmem>>)
      %run_scoped3A_110 = arith.constant 1 : i32
      "tpu.region"() ({
        %run_scoped3A_208 = tpu.sem_alloc : memref<!tpu.dma_semaphore, #tpu.memory_space<semaphore_mem>>
        %dma_start3A_209 = arith.constant 0 : i32
        %dma_start3A_210 = tpu.memref_slice %arg7[%select_n3A_68, %run_scoped3A_110, %dma_start3A_209] : memref<2x8x128xi32, #tpu.memory_space<vmem>> -> memref<1x1x128xi32, #tpu.memory_space<vmem>>
        %dma_start3A_211 = tpu.memref_squeeze %dma_start3A_210 : memref<1x1x128xi32, #tpu.memory_space<vmem>> -> memref<128xi32, #tpu.memory_space<vmem>>
        %dma_start3A_212 = arith.constant 0 : i32
        %dma_start3A_213 = arith.constant 0 : i32
        %dma_start3A_214 = tpu.memref_slice %arg11[%dma_start3A_212, %dma_start3A_213] : memref<10112x64xf32, #tpu.memory_space<vmem_shared>> -> memref<10112x64xf32, #tpu.memory_space<vmem_shared>>
        tpu.enqueue_indirect_dma source(%arg9 : memref<128x64xf32, #tpu.memory_space<vmem>>) target(%dma_start3A_214 : memref<10112x64xf32, #tpu.memory_space<vmem_shared>>) offsets(%dma_start3A_211 : memref<128xi32, #tpu.memory_space<vmem>>) semaphore(%run_scoped3A_208 : memref<!tpu.dma_semaphore, #tpu.memory_space<semaphore_mem>>) {add = true}
        %dma_wait3A_215 = arith.constant 0 : i32
        %dma_wait3A_216 = tpu.memref_slice %arg7[%select_n3A_68, %run_scoped3A_110, %dma_wait3A_215] : memref<2x8x128xi32, #tpu.memory_space<vmem>> -> memref<1x1x128xi32, #tpu.memory_space<vmem>>
        %dma_wait3A_217 = tpu.memref_squeeze %dma_wait3A_216 : memref<1x1x128xi32, #tpu.memory_space<vmem>> -> memref<128xi32, #tpu.memory_space<vmem>>
        %dma_wait3A_218 = arith.constant 0 : i32
        %dma_wait3A_219 = arith.constant 0 : i32
        %dma_wait3A_220 = tpu.memref_slice %arg11[%dma_wait3A_218, %dma_wait3A_219] : memref<10112x64xf32, #tpu.memory_space<vmem_shared>> -> memref<10112x64xf32, #tpu.memory_space<vmem_shared>>
        tpu.wait_indirect_dma semaphore(%run_scoped3A_208 : memref<!tpu.dma_semaphore, #tpu.memory_space<semaphore_mem>>) src(%arg9 : memref<128x64xf32, #tpu.memory_space<vmem>>) dst(%dma_wait3A_220 : memref<10112x64xf32, #tpu.memory_space<vmem_shared>>)
        tpu.yield
      }) : () -> ()
      %dma_start3A_111 = arith.constant 3 : i32
      %dma_start3A_112 = arith.constant 0 : i32
      %dma_start3A_113 = tpu.memref_slice %arg6[%select_n3A_68, %dma_start3A_111, %dma_start3A_112] : memref<2x8x128xi32, #tpu.memory_space<vmem>> -> memref<1x1x128xi32, #tpu.memory_space<vmem>>
      %dma_start3A_114 = tpu.memref_squeeze %dma_start3A_113 : memref<1x1x128xi32, #tpu.memory_space<vmem>> -> memref<128xi32, #tpu.memory_space<vmem>>
      %dma_start3A_115 = arith.constant 0 : i32
      %dma_start3A_116 = arith.constant 0 : i32
      %dma_start3A_117 = tpu.memref_slice %arg10[%dma_start3A_115, %dma_start3A_116] : memref<10000x64xf32, #tpu.memory_space<vmem_shared>> -> memref<10000x64xf32, #tpu.memory_space<vmem_shared>>
      tpu.enqueue_indirect_dma source(%dma_start3A_117 : memref<10000x64xf32, #tpu.memory_space<vmem_shared>>) target(%arg9 : memref<128x64xf32, #tpu.memory_space<vmem>>) offsets(%dma_start3A_114 : memref<128xi32, #tpu.memory_space<vmem>>) semaphore(%arg13 : memref<!tpu.dma_semaphore, #tpu.memory_space<semaphore_mem>>)
      %dma_wait3A_118 = arith.constant 0 : i32
      %dma_wait3A_119 = arith.constant 0 : i32
      %dma_wait3A_120 = arith.constant 0 : i32
      %dma_wait3A_121 = tpu.memref_slice %arg6[%dma_wait3A_118, %dma_wait3A_119, %dma_wait3A_120] : memref<2x8x128xi32, #tpu.memory_space<vmem>> -> memref<1x1x128xi32, #tpu.memory_space<vmem>>
      %dma_wait3A_122 = tpu.memref_squeeze %dma_wait3A_121 : memref<1x1x128xi32, #tpu.memory_space<vmem>> -> memref<128xi32, #tpu.memory_space<vmem>>
      %dma_wait3A_123 = arith.constant 0 : i32
      %dma_wait3A_124 = arith.constant 0 : i32
      %dma_wait3A_125 = tpu.memref_slice %arg10[%dma_wait3A_123, %dma_wait3A_124] : memref<10000x64xf32, #tpu.memory_space<vmem_shared>> -> memref<10000x64xf32, #tpu.memory_space<vmem_shared>>
      tpu.wait_indirect_dma semaphore(%arg12 : memref<!tpu.dma_semaphore, #tpu.memory_space<semaphore_mem>>) src(%dma_wait3A_125 : memref<10000x64xf32, #tpu.memory_space<vmem_shared>>) dst(%arg8 : memref<128x64xf32, #tpu.memory_space<vmem>>)
      %run_scoped3A_126 = arith.constant 2 : i32
      "tpu.region"() ({
        %run_scoped3A_208 = tpu.sem_alloc : memref<!tpu.dma_semaphore, #tpu.memory_space<semaphore_mem>>
        %dma_start3A_209 = arith.constant 0 : i32
        %dma_start3A_210 = tpu.memref_slice %arg7[%select_n3A_68, %run_scoped3A_126, %dma_start3A_209] : memref<2x8x128xi32, #tpu.memory_space<vmem>> -> memref<1x1x128xi32, #tpu.memory_space<vmem>>
        %dma_start3A_211 = tpu.memref_squeeze %dma_start3A_210 : memref<1x1x128xi32, #tpu.memory_space<vmem>> -> memref<128xi32, #tpu.memory_space<vmem>>
        %dma_start3A_212 = arith.constant 0 : i32
        %dma_start3A_213 = arith.constant 0 : i32
        %dma_start3A_214 = tpu.memref_slice %arg11[%dma_start3A_212, %dma_start3A_213] : memref<10112x64xf32, #tpu.memory_space<vmem_shared>> -> memref<10112x64xf32, #tpu.memory_space<vmem_shared>>
        tpu.enqueue_indirect_dma source(%arg8 : memref<128x64xf32, #tpu.memory_space<vmem>>) target(%dma_start3A_214 : memref<10112x64xf32, #tpu.memory_space<vmem_shared>>) offsets(%dma_start3A_211 : memref<128xi32, #tpu.memory_space<vmem>>) semaphore(%run_scoped3A_208 : memref<!tpu.dma_semaphore, #tpu.memory_space<semaphore_mem>>) {add = true}
        %dma_wait3A_215 = arith.constant 0 : i32
        %dma_wait3A_216 = tpu.memref_slice %arg7[%select_n3A_68, %run_scoped3A_126, %dma_wait3A_215] : memref<2x8x128xi32, #tpu.memory_space<vmem>> -> memref<1x1x128xi32, #tpu.memory_space<vmem>>
        %dma_wait3A_217 = tpu.memref_squeeze %dma_wait3A_216 : memref<1x1x128xi32, #tpu.memory_space<vmem>> -> memref<128xi32, #tpu.memory_space<vmem>>
        %dma_wait3A_218 = arith.constant 0 : i32
        %dma_wait3A_219 = arith.constant 0 : i32
        %dma_wait3A_220 = tpu.memref_slice %arg11[%dma_wait3A_218, %dma_wait3A_219] : memref<10112x64xf32, #tpu.memory_space<vmem_shared>> -> memref<10112x64xf32, #tpu.memory_space<vmem_shared>>
        tpu.wait_indirect_dma semaphore(%run_scoped3A_208 : memref<!tpu.dma_semaphore, #tpu.memory_space<semaphore_mem>>) src(%arg8 : memref<128x64xf32, #tpu.memory_space<vmem>>) dst(%dma_wait3A_220 : memref<10112x64xf32, #tpu.memory_space<vmem_shared>>)
        tpu.yield
      }) : () -> ()
      %dma_start3A_127 = arith.constant 4 : i32
      %dma_start3A_128 = arith.constant 0 : i32
      %dma_start3A_129 = tpu.memref_slice %arg6[%select_n3A_68, %dma_start3A_127, %dma_start3A_128] : memref<2x8x128xi32, #tpu.memory_space<vmem>> -> memref<1x1x128xi32, #tpu.memory_space<vmem>>
      %dma_start3A_130 = tpu.memref_squeeze %dma_start3A_129 : memref<1x1x128xi32, #tpu.memory_space<vmem>> -> memref<128xi32, #tpu.memory_space<vmem>>
      %dma_start3A_131 = arith.constant 0 : i32
      %dma_start3A_132 = arith.constant 0 : i32
      %dma_start3A_133 = tpu.memref_slice %arg10[%dma_start3A_131, %dma_start3A_132] : memref<10000x64xf32, #tpu.memory_space<vmem_shared>> -> memref<10000x64xf32, #tpu.memory_space<vmem_shared>>
      tpu.enqueue_indirect_dma source(%dma_start3A_133 : memref<10000x64xf32, #tpu.memory_space<vmem_shared>>) target(%arg8 : memref<128x64xf32, #tpu.memory_space<vmem>>) offsets(%dma_start3A_130 : memref<128xi32, #tpu.memory_space<vmem>>) semaphore(%arg12 : memref<!tpu.dma_semaphore, #tpu.memory_space<semaphore_mem>>)
      %dma_wait3A_134 = arith.constant 0 : i32
      %dma_wait3A_135 = arith.constant 0 : i32
      %dma_wait3A_136 = arith.constant 0 : i32
      %dma_wait3A_137 = tpu.memref_slice %arg6[%dma_wait3A_134, %dma_wait3A_135, %dma_wait3A_136] : memref<2x8x128xi32, #tpu.memory_space<vmem>> -> memref<1x1x128xi32, #tpu.memory_space<vmem>>
      %dma_wait3A_138 = tpu.memref_squeeze %dma_wait3A_137 : memref<1x1x128xi32, #tpu.memory_space<vmem>> -> memref<128xi32, #tpu.memory_space<vmem>>
      %dma_wait3A_139 = arith.constant 0 : i32
      %dma_wait3A_140 = arith.constant 0 : i32
      %dma_wait3A_141 = tpu.memref_slice %arg10[%dma_wait3A_139, %dma_wait3A_140] : memref<10000x64xf32, #tpu.memory_space<vmem_shared>> -> memref<10000x64xf32, #tpu.memory_space<vmem_shared>>
      tpu.wait_indirect_dma semaphore(%arg13 : memref<!tpu.dma_semaphore, #tpu.memory_space<semaphore_mem>>) src(%dma_wait3A_141 : memref<10000x64xf32, #tpu.memory_space<vmem_shared>>) dst(%arg9 : memref<128x64xf32, #tpu.memory_space<vmem>>)
      %run_scoped3A_142 = arith.constant 3 : i32
      "tpu.region"() ({
        %run_scoped3A_208 = tpu.sem_alloc : memref<!tpu.dma_semaphore, #tpu.memory_space<semaphore_mem>>
        %dma_start3A_209 = arith.constant 0 : i32
        %dma_start3A_210 = tpu.memref_slice %arg7[%select_n3A_68, %run_scoped3A_142, %dma_start3A_209] : memref<2x8x128xi32, #tpu.memory_space<vmem>> -> memref<1x1x128xi32, #tpu.memory_space<vmem>>
        %dma_start3A_211 = tpu.memref_squeeze %dma_start3A_210 : memref<1x1x128xi32, #tpu.memory_space<vmem>> -> memref<128xi32, #tpu.memory_space<vmem>>
        %dma_start3A_212 = arith.constant 0 : i32
        %dma_start3A_213 = arith.constant 0 : i32
        %dma_start3A_214 = tpu.memref_slice %arg11[%dma_start3A_212, %dma_start3A_213] : memref<10112x64xf32, #tpu.memory_space<vmem_shared>> -> memref<10112x64xf32, #tpu.memory_space<vmem_shared>>
        tpu.enqueue_indirect_dma source(%arg9 : memref<128x64xf32, #tpu.memory_space<vmem>>) target(%dma_start3A_214 : memref<10112x64xf32, #tpu.memory_space<vmem_shared>>) offsets(%dma_start3A_211 : memref<128xi32, #tpu.memory_space<vmem>>) semaphore(%run_scoped3A_208 : memref<!tpu.dma_semaphore, #tpu.memory_space<semaphore_mem>>) {add = true}
        %dma_wait3A_215 = arith.constant 0 : i32
        %dma_wait3A_216 = tpu.memref_slice %arg7[%select_n3A_68, %run_scoped3A_142, %dma_wait3A_215] : memref<2x8x128xi32, #tpu.memory_space<vmem>> -> memref<1x1x128xi32, #tpu.memory_space<vmem>>
        %dma_wait3A_217 = tpu.memref_squeeze %dma_wait3A_216 : memref<1x1x128xi32, #tpu.memory_space<vmem>> -> memref<128xi32, #tpu.memory_space<vmem>>
        %dma_wait3A_218 = arith.constant 0 : i32
        %dma_wait3A_219 = arith.constant 0 : i32
        %dma_wait3A_220 = tpu.memref_slice %arg11[%dma_wait3A_218, %dma_wait3A_219] : memref<10112x64xf32, #tpu.memory_space<vmem_shared>> -> memref<10112x64xf32, #tpu.memory_space<vmem_shared>>
        tpu.wait_indirect_dma semaphore(%run_scoped3A_208 : memref<!tpu.dma_semaphore, #tpu.memory_space<semaphore_mem>>) src(%arg9 : memref<128x64xf32, #tpu.memory_space<vmem>>) dst(%dma_wait3A_220 : memref<10112x64xf32, #tpu.memory_space<vmem_shared>>)
        tpu.yield
      }) : () -> ()
      %dma_start3A_143 = arith.constant 5 : i32
      %dma_start3A_144 = arith.constant 0 : i32
      %dma_start3A_145 = tpu.memref_slice %arg6[%select_n3A_68, %dma_start3A_143, %dma_start3A_144] : memref<2x8x128xi32, #tpu.memory_space<vmem>> -> memref<1x1x128xi32, #tpu.memory_space<vmem>>
      %dma_start3A_146 = tpu.memref_squeeze %dma_start3A_145 : memref<1x1x128xi32, #tpu.memory_space<vmem>> -> memref<128xi32, #tpu.memory_space<vmem>>
      %dma_start3A_147 = arith.constant 0 : i32
      %dma_start3A_148 = arith.constant 0 : i32
      %dma_start3A_149 = tpu.memref_slice %arg10[%dma_start3A_147, %dma_start3A_148] : memref<10000x64xf32, #tpu.memory_space<vmem_shared>> -> memref<10000x64xf32, #tpu.memory_space<vmem_shared>>
      tpu.enqueue_indirect_dma source(%dma_start3A_149 : memref<10000x64xf32, #tpu.memory_space<vmem_shared>>) target(%arg9 : memref<128x64xf32, #tpu.memory_space<vmem>>) offsets(%dma_start3A_146 : memref<128xi32, #tpu.memory_space<vmem>>) semaphore(%arg13 : memref<!tpu.dma_semaphore, #tpu.memory_space<semaphore_mem>>)
      %dma_wait3A_150 = arith.constant 0 : i32
      %dma_wait3A_151 = arith.constant 0 : i32
      %dma_wait3A_152 = arith.constant 0 : i32
      %dma_wait3A_153 = tpu.memref_slice %arg6[%dma_wait3A_150, %dma_wait3A_151, %dma_wait3A_152] : memref<2x8x128xi32, #tpu.memory_space<vmem>> -> memref<1x1x128xi32, #tpu.memory_space<vmem>>
      %dma_wait3A_154 = tpu.memref_squeeze %dma_wait3A_153 : memref<1x1x128xi32, #tpu.memory_space<vmem>> -> memref<128xi32, #tpu.memory_space<vmem>>
      %dma_wait3A_155 = arith.constant 0 : i32
      %dma_wait3A_156 = arith.constant 0 : i32
      %dma_wait3A_157 = tpu.memref_slice %arg10[%dma_wait3A_155, %dma_wait3A_156] : memref<10000x64xf32, #tpu.memory_space<vmem_shared>> -> memref<10000x64xf32, #tpu.memory_space<vmem_shared>>
      tpu.wait_indirect_dma semaphore(%arg12 : memref<!tpu.dma_semaphore, #tpu.memory_space<semaphore_mem>>) src(%dma_wait3A_157 : memref<10000x64xf32, #tpu.memory_space<vmem_shared>>) dst(%arg8 : memref<128x64xf32, #tpu.memory_space<vmem>>)
      %run_scoped3A_158 = arith.constant 4 : i32
      "tpu.region"() ({
        %run_scoped3A_208 = tpu.sem_alloc : memref<!tpu.dma_semaphore, #tpu.memory_space<semaphore_mem>>
        %dma_start3A_209 = arith.constant 0 : i32
        %dma_start3A_210 = tpu.memref_slice %arg7[%select_n3A_68, %run_scoped3A_158, %dma_start3A_209] : memref<2x8x128xi32, #tpu.memory_space<vmem>> -> memref<1x1x128xi32, #tpu.memory_space<vmem>>
        %dma_start3A_211 = tpu.memref_squeeze %dma_start3A_210 : memref<1x1x128xi32, #tpu.memory_space<vmem>> -> memref<128xi32, #tpu.memory_space<vmem>>
        %dma_start3A_212 = arith.constant 0 : i32
        %dma_start3A_213 = arith.constant 0 : i32
        %dma_start3A_214 = tpu.memref_slice %arg11[%dma_start3A_212, %dma_start3A_213] : memref<10112x64xf32, #tpu.memory_space<vmem_shared>> -> memref<10112x64xf32, #tpu.memory_space<vmem_shared>>
        tpu.enqueue_indirect_dma source(%arg8 : memref<128x64xf32, #tpu.memory_space<vmem>>) target(%dma_start3A_214 : memref<10112x64xf32, #tpu.memory_space<vmem_shared>>) offsets(%dma_start3A_211 : memref<128xi32, #tpu.memory_space<vmem>>) semaphore(%run_scoped3A_208 : memref<!tpu.dma_semaphore, #tpu.memory_space<semaphore_mem>>) {add = true}
        %dma_wait3A_215 = arith.constant 0 : i32
        %dma_wait3A_216 = tpu.memref_slice %arg7[%select_n3A_68, %run_scoped3A_158, %dma_wait3A_215] : memref<2x8x128xi32, #tpu.memory_space<vmem>> -> memref<1x1x128xi32, #tpu.memory_space<vmem>>
        %dma_wait3A_217 = tpu.memref_squeeze %dma_wait3A_216 : memref<1x1x128xi32, #tpu.memory_space<vmem>> -> memref<128xi32, #tpu.memory_space<vmem>>
        %dma_wait3A_218 = arith.constant 0 : i32
        %dma_wait3A_219 = arith.constant 0 : i32
        %dma_wait3A_220 = tpu.memref_slice %arg11[%dma_wait3A_218, %dma_wait3A_219] : memref<10112x64xf32, #tpu.memory_space<vmem_shared>> -> memref<10112x64xf32, #tpu.memory_space<vmem_shared>>
        tpu.wait_indirect_dma semaphore(%run_scoped3A_208 : memref<!tpu.dma_semaphore, #tpu.memory_space<semaphore_mem>>) src(%arg8 : memref<128x64xf32, #tpu.memory_space<vmem>>) dst(%dma_wait3A_220 : memref<10112x64xf32, #tpu.memory_space<vmem_shared>>)
        tpu.yield
      }) : () -> ()
      %dma_start3A_159 = arith.constant 6 : i32
      %dma_start3A_160 = arith.constant 0 : i32
      %dma_start3A_161 = tpu.memref_slice %arg6[%select_n3A_68, %dma_start3A_159, %dma_start3A_160] : memref<2x8x128xi32, #tpu.memory_space<vmem>> -> memref<1x1x128xi32, #tpu.memory_space<vmem>>
      %dma_start3A_162 = tpu.memref_squeeze %dma_start3A_161 : memref<1x1x128xi32, #tpu.memory_space<vmem>> -> memref<128xi32, #tpu.memory_space<vmem>>
      %dma_start3A_163 = arith.constant 0 : i32
      %dma_start3A_164 = arith.constant 0 : i32
      %dma_start3A_165 = tpu.memref_slice %arg10[%dma_start3A_163, %dma_start3A_164] : memref<10000x64xf32, #tpu.memory_space<vmem_shared>> -> memref<10000x64xf32, #tpu.memory_space<vmem_shared>>
      tpu.enqueue_indirect_dma source(%dma_start3A_165 : memref<10000x64xf32, #tpu.memory_space<vmem_shared>>) target(%arg8 : memref<128x64xf32, #tpu.memory_space<vmem>>) offsets(%dma_start3A_162 : memref<128xi32, #tpu.memory_space<vmem>>) semaphore(%arg12 : memref<!tpu.dma_semaphore, #tpu.memory_space<semaphore_mem>>)
      %dma_wait3A_166 = arith.constant 0 : i32
      %dma_wait3A_167 = arith.constant 0 : i32
      %dma_wait3A_168 = arith.constant 0 : i32
      %dma_wait3A_169 = tpu.memref_slice %arg6[%dma_wait3A_166, %dma_wait3A_167, %dma_wait3A_168] : memref<2x8x128xi32, #tpu.memory_space<vmem>> -> memref<1x1x128xi32, #tpu.memory_space<vmem>>
      %dma_wait3A_170 = tpu.memref_squeeze %dma_wait3A_169 : memref<1x1x128xi32, #tpu.memory_space<vmem>> -> memref<128xi32, #tpu.memory_space<vmem>>
      %dma_wait3A_171 = arith.constant 0 : i32
      %dma_wait3A_172 = arith.constant 0 : i32
      %dma_wait3A_173 = tpu.memref_slice %arg10[%dma_wait3A_171, %dma_wait3A_172] : memref<10000x64xf32, #tpu.memory_space<vmem_shared>> -> memref<10000x64xf32, #tpu.memory_space<vmem_shared>>
      tpu.wait_indirect_dma semaphore(%arg13 : memref<!tpu.dma_semaphore, #tpu.memory_space<semaphore_mem>>) src(%dma_wait3A_173 : memref<10000x64xf32, #tpu.memory_space<vmem_shared>>) dst(%arg9 : memref<128x64xf32, #tpu.memory_space<vmem>>)
      %run_scoped3A_174 = arith.constant 5 : i32
      "tpu.region"() ({
        %run_scoped3A_208 = tpu.sem_alloc : memref<!tpu.dma_semaphore, #tpu.memory_space<semaphore_mem>>
        %dma_start3A_209 = arith.constant 0 : i32
        %dma_start3A_210 = tpu.memref_slice %arg7[%select_n3A_68, %run_scoped3A_174, %dma_start3A_209] : memref<2x8x128xi32, #tpu.memory_space<vmem>> -> memref<1x1x128xi32, #tpu.memory_space<vmem>>
        %dma_start3A_211 = tpu.memref_squeeze %dma_start3A_210 : memref<1x1x128xi32, #tpu.memory_space<vmem>> -> memref<128xi32, #tpu.memory_space<vmem>>
        %dma_start3A_212 = arith.constant 0 : i32
        %dma_start3A_213 = arith.constant 0 : i32
        %dma_start3A_214 = tpu.memref_slice %arg11[%dma_start3A_212, %dma_start3A_213] : memref<10112x64xf32, #tpu.memory_space<vmem_shared>> -> memref<10112x64xf32, #tpu.memory_space<vmem_shared>>
        tpu.enqueue_indirect_dma source(%arg9 : memref<128x64xf32, #tpu.memory_space<vmem>>) target(%dma_start3A_214 : memref<10112x64xf32, #tpu.memory_space<vmem_shared>>) offsets(%dma_start3A_211 : memref<128xi32, #tpu.memory_space<vmem>>) semaphore(%run_scoped3A_208 : memref<!tpu.dma_semaphore, #tpu.memory_space<semaphore_mem>>) {add = true}
        %dma_wait3A_215 = arith.constant 0 : i32
        %dma_wait3A_216 = tpu.memref_slice %arg7[%select_n3A_68, %run_scoped3A_174, %dma_wait3A_215] : memref<2x8x128xi32, #tpu.memory_space<vmem>> -> memref<1x1x128xi32, #tpu.memory_space<vmem>>
        %dma_wait3A_217 = tpu.memref_squeeze %dma_wait3A_216 : memref<1x1x128xi32, #tpu.memory_space<vmem>> -> memref<128xi32, #tpu.memory_space<vmem>>
        %dma_wait3A_218 = arith.constant 0 : i32
        %dma_wait3A_219 = arith.constant 0 : i32
        %dma_wait3A_220 = tpu.memref_slice %arg11[%dma_wait3A_218, %dma_wait3A_219] : memref<10112x64xf32, #tpu.memory_space<vmem_shared>> -> memref<10112x64xf32, #tpu.memory_space<vmem_shared>>
        tpu.wait_indirect_dma semaphore(%run_scoped3A_208 : memref<!tpu.dma_semaphore, #tpu.memory_space<semaphore_mem>>) src(%arg9 : memref<128x64xf32, #tpu.memory_space<vmem>>) dst(%dma_wait3A_220 : memref<10112x64xf32, #tpu.memory_space<vmem_shared>>)
        tpu.yield
      }) : () -> ()
      %dma_start3A_175 = arith.constant 7 : i32
      %dma_start3A_176 = arith.constant 0 : i32
      %dma_start3A_177 = tpu.memref_slice %arg6[%select_n3A_68, %dma_start3A_175, %dma_start3A_176] : memref<2x8x128xi32, #tpu.memory_space<vmem>> -> memref<1x1x128xi32, #tpu.memory_space<vmem>>
      %dma_start3A_178 = tpu.memref_squeeze %dma_start3A_177 : memref<1x1x128xi32, #tpu.memory_space<vmem>> -> memref<128xi32, #tpu.memory_space<vmem>>
      %dma_start3A_179 = arith.constant 0 : i32
      %dma_start3A_180 = arith.constant 0 : i32
      %dma_start3A_181 = tpu.memref_slice %arg10[%dma_start3A_179, %dma_start3A_180] : memref<10000x64xf32, #tpu.memory_space<vmem_shared>> -> memref<10000x64xf32, #tpu.memory_space<vmem_shared>>
      tpu.enqueue_indirect_dma source(%dma_start3A_181 : memref<10000x64xf32, #tpu.memory_space<vmem_shared>>) target(%arg9 : memref<128x64xf32, #tpu.memory_space<vmem>>) offsets(%dma_start3A_178 : memref<128xi32, #tpu.memory_space<vmem>>) semaphore(%arg13 : memref<!tpu.dma_semaphore, #tpu.memory_space<semaphore_mem>>)
      %dma_wait3A_182 = arith.constant 0 : i32
      %dma_wait3A_183 = arith.constant 0 : i32
      %dma_wait3A_184 = arith.constant 0 : i32
      %dma_wait3A_185 = tpu.memref_slice %arg6[%dma_wait3A_182, %dma_wait3A_183, %dma_wait3A_184] : memref<2x8x128xi32, #tpu.memory_space<vmem>> -> memref<1x1x128xi32, #tpu.memory_space<vmem>>
      %dma_wait3A_186 = tpu.memref_squeeze %dma_wait3A_185 : memref<1x1x128xi32, #tpu.memory_space<vmem>> -> memref<128xi32, #tpu.memory_space<vmem>>
      %dma_wait3A_187 = arith.constant 0 : i32
      %dma_wait3A_188 = arith.constant 0 : i32
      %dma_wait3A_189 = tpu.memref_slice %arg10[%dma_wait3A_187, %dma_wait3A_188] : memref<10000x64xf32, #tpu.memory_space<vmem_shared>> -> memref<10000x64xf32, #tpu.memory_space<vmem_shared>>
      tpu.wait_indirect_dma semaphore(%arg12 : memref<!tpu.dma_semaphore, #tpu.memory_space<semaphore_mem>>) src(%dma_wait3A_189 : memref<10000x64xf32, #tpu.memory_space<vmem_shared>>) dst(%arg8 : memref<128x64xf32, #tpu.memory_space<vmem>>)
      %run_scoped3A_190 = arith.constant 6 : i32
      "tpu.region"() ({
        %run_scoped3A_208 = tpu.sem_alloc : memref<!tpu.dma_semaphore, #tpu.memory_space<semaphore_mem>>
        %dma_start3A_209 = arith.constant 0 : i32
        %dma_start3A_210 = tpu.memref_slice %arg7[%select_n3A_68, %run_scoped3A_190, %dma_start3A_209] : memref<2x8x128xi32, #tpu.memory_space<vmem>> -> memref<1x1x128xi32, #tpu.memory_space<vmem>>
        %dma_start3A_211 = tpu.memref_squeeze %dma_start3A_210 : memref<1x1x128xi32, #tpu.memory_space<vmem>> -> memref<128xi32, #tpu.memory_space<vmem>>
        %dma_start3A_212 = arith.constant 0 : i32
        %dma_start3A_213 = arith.constant 0 : i32
        %dma_start3A_214 = tpu.memref_slice %arg11[%dma_start3A_212, %dma_start3A_213] : memref<10112x64xf32, #tpu.memory_space<vmem_shared>> -> memref<10112x64xf32, #tpu.memory_space<vmem_shared>>
        tpu.enqueue_indirect_dma source(%arg8 : memref<128x64xf32, #tpu.memory_space<vmem>>) target(%dma_start3A_214 : memref<10112x64xf32, #tpu.memory_space<vmem_shared>>) offsets(%dma_start3A_211 : memref<128xi32, #tpu.memory_space<vmem>>) semaphore(%run_scoped3A_208 : memref<!tpu.dma_semaphore, #tpu.memory_space<semaphore_mem>>) {add = true}
        %dma_wait3A_215 = arith.constant 0 : i32
        %dma_wait3A_216 = tpu.memref_slice %arg7[%select_n3A_68, %run_scoped3A_190, %dma_wait3A_215] : memref<2x8x128xi32, #tpu.memory_space<vmem>> -> memref<1x1x128xi32, #tpu.memory_space<vmem>>
        %dma_wait3A_217 = tpu.memref_squeeze %dma_wait3A_216 : memref<1x1x128xi32, #tpu.memory_space<vmem>> -> memref<128xi32, #tpu.memory_space<vmem>>
        %dma_wait3A_218 = arith.constant 0 : i32
        %dma_wait3A_219 = arith.constant 0 : i32
        %dma_wait3A_220 = tpu.memref_slice %arg11[%dma_wait3A_218, %dma_wait3A_219] : memref<10112x64xf32, #tpu.memory_space<vmem_shared>> -> memref<10112x64xf32, #tpu.memory_space<vmem_shared>>
        tpu.wait_indirect_dma semaphore(%run_scoped3A_208 : memref<!tpu.dma_semaphore, #tpu.memory_space<semaphore_mem>>) src(%arg8 : memref<128x64xf32, #tpu.memory_space<vmem>>) dst(%dma_wait3A_220 : memref<10112x64xf32, #tpu.memory_space<vmem_shared>>)
        tpu.yield
      }) : () -> ()
      %dma_wait3A_191 = arith.constant 0 : i32
      %dma_wait3A_192 = arith.constant 0 : i32
      %dma_wait3A_193 = arith.constant 0 : i32
      %dma_wait3A_194 = tpu.memref_slice %arg6[%dma_wait3A_191, %dma_wait3A_192, %dma_wait3A_193] : memref<2x8x128xi32, #tpu.memory_space<vmem>> -> memref<1x1x128xi32, #tpu.memory_space<vmem>>
      %dma_wait3A_195 = tpu.memref_squeeze %dma_wait3A_194 : memref<1x1x128xi32, #tpu.memory_space<vmem>> -> memref<128xi32, #tpu.memory_space<vmem>>
      %dma_wait3A_196 = arith.constant 0 : i32
      %dma_wait3A_197 = arith.constant 0 : i32
      %dma_wait3A_198 = tpu.memref_slice %arg10[%dma_wait3A_196, %dma_wait3A_197] : memref<10000x64xf32, #tpu.memory_space<vmem_shared>> -> memref<10000x64xf32, #tpu.memory_space<vmem_shared>>
      tpu.wait_indirect_dma semaphore(%arg13 : memref<!tpu.dma_semaphore, #tpu.memory_space<semaphore_mem>>) src(%dma_wait3A_198 : memref<10000x64xf32, #tpu.memory_space<vmem_shared>>) dst(%arg9 : memref<128x64xf32, #tpu.memory_space<vmem>>)
      %run_scoped3A_199 = arith.constant 7 : i32
      "tpu.region"() ({
        %run_scoped3A_208 = tpu.sem_alloc : memref<!tpu.dma_semaphore, #tpu.memory_space<semaphore_mem>>
        %dma_start3A_209 = arith.constant 0 : i32
        %dma_start3A_210 = tpu.memref_slice %arg7[%select_n3A_68, %run_scoped3A_199, %dma_start3A_209] : memref<2x8x128xi32, #tpu.memory_space<vmem>> -> memref<1x1x128xi32, #tpu.memory_space<vmem>>
        %dma_start3A_211 = tpu.memref_squeeze %dma_start3A_210 : memref<1x1x128xi32, #tpu.memory_space<vmem>> -> memref<128xi32, #tpu.memory_space<vmem>>
        %dma_start3A_212 = arith.constant 0 : i32
        %dma_start3A_213 = arith.constant 0 : i32
        %dma_start3A_214 = tpu.memref_slice %arg11[%dma_start3A_212, %dma_start3A_213] : memref<10112x64xf32, #tpu.memory_space<vmem_shared>> -> memref<10112x64xf32, #tpu.memory_space<vmem_shared>>
        tpu.enqueue_indirect_dma source(%arg9 : memref<128x64xf32, #tpu.memory_space<vmem>>) target(%dma_start3A_214 : memref<10112x64xf32, #tpu.memory_space<vmem_shared>>) offsets(%dma_start3A_211 : memref<128xi32, #tpu.memory_space<vmem>>) semaphore(%run_scoped3A_208 : memref<!tpu.dma_semaphore, #tpu.memory_space<semaphore_mem>>) {add = true}
        %dma_wait3A_215 = arith.constant 0 : i32
        %dma_wait3A_216 = tpu.memref_slice %arg7[%select_n3A_68, %run_scoped3A_199, %dma_wait3A_215] : memref<2x8x128xi32, #tpu.memory_space<vmem>> -> memref<1x1x128xi32, #tpu.memory_space<vmem>>
        %dma_wait3A_217 = tpu.memref_squeeze %dma_wait3A_216 : memref<1x1x128xi32, #tpu.memory_space<vmem>> -> memref<128xi32, #tpu.memory_space<vmem>>
        %dma_wait3A_218 = arith.constant 0 : i32
        %dma_wait3A_219 = arith.constant 0 : i32
        %dma_wait3A_220 = tpu.memref_slice %arg11[%dma_wait3A_218, %dma_wait3A_219] : memref<10112x64xf32, #tpu.memory_space<vmem_shared>> -> memref<10112x64xf32, #tpu.memory_space<vmem_shared>>
        tpu.wait_indirect_dma semaphore(%run_scoped3A_208 : memref<!tpu.dma_semaphore, #tpu.memory_space<semaphore_mem>>) src(%arg9 : memref<128x64xf32, #tpu.memory_space<vmem>>) dst(%dma_wait3A_220 : memref<10112x64xf32, #tpu.memory_space<vmem_shared>>)
        tpu.yield
      }) : () -> ()
      %add3A_200 = arith.constant 1 : i32
      %add3A_201 = arith.addi %scan3A_58, %add3A_200 : i32
      %lt3A_202 = arith.constant 20 : i32
      %lt3A_203 = arith.cmpi slt, %add3A_201, %lt3A_202 : i32
      %convert_element_type3A_204 = arith.extui %lt3A_203 : i1 to i32
      %cond3A_205 = arith.constant 0 : i32
      %cond3A_206 = arith.cmpi ne, %convert_element_type3A_204, %cond3A_205 : i32
      scf.if %cond3A_206 {
        %sub3A = arith.constant 1 : i32
        %sub3A_208 = arith.subi %sub3A, %select_n3A_68 : i32
        %dma_wait3A_209 = arith.constant 0 : i32
        %dma_wait3A_210 = arith.constant 0 : i32
        %dma_wait3A_211 = arith.constant 0 : i32
        %dma_wait3A_212 = arith.constant 0 : i32
        %dma_wait3A_213 = tpu.memref_slice %arg6[%sub3A_208, %dma_wait3A_211, %dma_wait3A_212] : memref<2x8x128xi32, #tpu.memory_space<vmem>> -> memref<1x8x128xi32, #tpu.memory_space<vmem>>
        %dma_wait3A_214 = tpu.memref_squeeze %dma_wait3A_213 : memref<1x8x128xi32, #tpu.memory_space<vmem>> -> memref<8x128xi32, #tpu.memory_space<vmem>>
        %dma_wait3A_215 = arith.constant 0 : i32
        %dma_wait3A_216 = arith.constant 0 : i32
        %dma_wait3A_217 = tpu.memref_slice %arg3[%dma_wait3A_209, %arg1, %dma_wait3A_210, %dma_wait3A_215, %dma_wait3A_216] : memref<2x16x20x8x128xi32, #tpu.memory_space<hbm>> -> memref<1x1x1x8x128xi32, #tpu.memory_space<hbm>>
        %dma_wait3A_218 = tpu.memref_squeeze %dma_wait3A_217 : memref<1x1x1x8x128xi32, #tpu.memory_space<hbm>> -> memref<8x128xi32, #tpu.memory_space<hbm>>
        %dma_wait3A_219 = arith.constant 0 : i32
        %dma_wait3A_220 = arith.constant 0 : i32
        %dma_wait3A_221 = tpu.memref_slice %arg6[%sub3A_208, %dma_wait3A_219, %dma_wait3A_220] : memref<2x8x128xi32, #tpu.memory_space<vmem>> -> memref<1x8x128xi32, #tpu.memory_space<vmem>>
        %dma_wait3A_222 = tpu.memref_squeeze %dma_wait3A_221 : memref<1x8x128xi32, #tpu.memory_space<vmem>> -> memref<8x128xi32, #tpu.memory_space<vmem>>
        %dma_wait3A_223 = arith.constant 0 : i32
        %dma_wait3A_224 = arith.constant 0 : i32
        %dma_wait3A_225 = tpu.memref_slice %arg3[%dma_wait3A_209, %arg1, %dma_wait3A_210, %dma_wait3A_223, %dma_wait3A_224] : memref<2x16x20x8x128xi32, #tpu.memory_space<hbm>> -> memref<1x1x1x8x128xi32, #tpu.memory_space<hbm>>
        %dma_wait3A_226 = tpu.memref_squeeze %dma_wait3A_225 : memref<1x1x1x8x128xi32, #tpu.memory_space<hbm>> -> memref<8x128xi32, #tpu.memory_space<hbm>>
        tpu.wait_dma2 semaphore(%arg14 : memref<!tpu.dma_semaphore, #tpu.memory_space<semaphore_mem>>) src(%dma_wait3A_226 : memref<8x128xi32, #tpu.memory_space<hbm>>) dst(%dma_wait3A_222 : memref<8x128xi32, #tpu.memory_space<vmem>>)
        %sub3A_227 = arith.constant 1 : i32
        %sub3A_228 = arith.subi %sub3A_227, %select_n3A_68 : i32
        %dma_wait3A_229 = arith.constant 1 : i32
        %dma_wait3A_230 = arith.constant 0 : i32
        %dma_wait3A_231 = arith.constant 0 : i32
        %dma_wait3A_232 = arith.constant 0 : i32
        %dma_wait3A_233 = tpu.memref_slice %arg7[%sub3A_228, %dma_wait3A_231, %dma_wait3A_232] : memref<2x8x128xi32, #tpu.memory_space<vmem>> -> memref<1x8x128xi32, #tpu.memory_space<vmem>>
        %dma_wait3A_234 = tpu.memref_squeeze %dma_wait3A_233 : memref<1x8x128xi32, #tpu.memory_space<vmem>> -> memref<8x128xi32, #tpu.memory_space<vmem>>
        %dma_wait3A_235 = arith.constant 0 : i32
        %dma_wait3A_236 = arith.constant 0 : i32
        %dma_wait3A_237 = tpu.memref_slice %arg3[%dma_wait3A_229, %arg1, %dma_wait3A_230, %dma_wait3A_235, %dma_wait3A_236] : memref<2x16x20x8x128xi32, #tpu.memory_space<hbm>> -> memref<1x1x1x8x128xi32, #tpu.memory_space<hbm>>
        %dma_wait3A_238 = tpu.memref_squeeze %dma_wait3A_237 : memref<1x1x1x8x128xi32, #tpu.memory_space<hbm>> -> memref<8x128xi32, #tpu.memory_space<hbm>>
        %dma_wait3A_239 = arith.constant 0 : i32
        %dma_wait3A_240 = arith.constant 0 : i32
        %dma_wait3A_241 = tpu.memref_slice %arg7[%sub3A_228, %dma_wait3A_239, %dma_wait3A_240] : memref<2x8x128xi32, #tpu.memory_space<vmem>> -> memref<1x8x128xi32, #tpu.memory_space<vmem>>
        %dma_wait3A_242 = tpu.memref_squeeze %dma_wait3A_241 : memref<1x8x128xi32, #tpu.memory_space<vmem>> -> memref<8x128xi32, #tpu.memory_space<vmem>>
        %dma_wait3A_243 = arith.constant 0 : i32
        %dma_wait3A_244 = arith.constant 0 : i32
        %dma_wait3A_245 = tpu.memref_slice %arg3[%dma_wait3A_229, %arg1, %dma_wait3A_230, %dma_wait3A_243, %dma_wait3A_244] : memref<2x16x20x8x128xi32, #tpu.memory_space<hbm>> -> memref<1x1x1x8x128xi32, #tpu.memory_space<hbm>>
        %dma_wait3A_246 = tpu.memref_squeeze %dma_wait3A_245 : memref<1x1x1x8x128xi32, #tpu.memory_space<hbm>> -> memref<8x128xi32, #tpu.memory_space<hbm>>
        tpu.wait_dma2 semaphore(%arg15 : memref<!tpu.dma_semaphore, #tpu.memory_space<semaphore_mem>>) src(%dma_wait3A_246 : memref<8x128xi32, #tpu.memory_space<hbm>>) dst(%dma_wait3A_242 : memref<8x128xi32, #tpu.memory_space<vmem>>)
      } else {
      }
      %scan3A_207 = arith.constant 0 : i32
      scf.yield %scan3A_207 : i32
    }
    %scan3A_26 = arith.constant 20 : i32
    %barrier3A_27 = arith.constant 0 : index
    tpu.barrier barrier_id(%barrier3A_27)
    %add3A_28 = arith.constant 0 : i32
    %add3A_29 = arith.addi %mul3A_6, %add3A_28 : i32
    "tpu.region"() ({
      %run_scoped3A_58 = tpu.sem_alloc : memref<!tpu.dma_semaphore, #tpu.memory_space<semaphore_mem>>
      %dma_start3A = arith.constant 0 : i32
      %dma_start3A_59 = tpu.memref_slice %arg11[%add3A_29, %dma_start3A] : memref<10112x64xf32, #tpu.memory_space<vmem_shared>> -> memref<128x64xf32, #tpu.memory_space<vmem_shared>>
      %dma_start3A_60 = arith.constant 0 : i32
      %dma_start3A_61 = tpu.memref_slice %arg11[%add3A_29, %dma_start3A_60] : memref<10112x64xf32, #tpu.memory_space<vmem_shared>> -> memref<128x64xf32, #tpu.memory_space<vmem_shared>>
      tpu.enqueue_dma source(%dma_start3A_61 : memref<128x64xf32, #tpu.memory_space<vmem_shared>>) target(%arg8 : memref<128x64xf32, #tpu.memory_space<vmem>>) target_semaphore(%run_scoped3A_58 : memref<!tpu.dma_semaphore, #tpu.memory_space<semaphore_mem>>)
      %dma_wait3A = arith.constant 0 : i32
      %dma_wait3A_62 = tpu.memref_slice %arg11[%add3A_29, %dma_wait3A] : memref<10112x64xf32, #tpu.memory_space<vmem_shared>> -> memref<128x64xf32, #tpu.memory_space<vmem_shared>>
      %dma_wait3A_63 = arith.constant 0 : i32
      %dma_wait3A_64 = tpu.memref_slice %arg11[%add3A_29, %dma_wait3A_63] : memref<10112x64xf32, #tpu.memory_space<vmem_shared>> -> memref<128x64xf32, #tpu.memory_space<vmem_shared>>
      tpu.wait_dma2 semaphore(%run_scoped3A_58 : memref<!tpu.dma_semaphore, #tpu.memory_space<semaphore_mem>>) src(%dma_wait3A_64 : memref<128x64xf32, #tpu.memory_space<vmem_shared>>) dst(%arg8 : memref<128x64xf32, #tpu.memory_space<vmem>>)
      tpu.yield
    }) : () -> ()
    %add3A_30 = arith.constant 0 : i32
    %add3A_31 = arith.addi %mul3A_6, %add3A_30 : i32
    %mul3A_32 = arith.constant 64 : i32
    %mul3A_33 = arith.muli %arg0, %mul3A_32 : i32
    "tpu.region"() ({
      %run_scoped3A_58 = tpu.sem_alloc : memref<!tpu.dma_semaphore, #tpu.memory_space<semaphore_mem>>
      %dma_start3A = tpu.memref_slice %arg5[%add3A_31, %mul3A_33] : memref<10112x128xf32, #tpu.memory_space<hbm>> -> memref<128x64xf32, #tpu.memory_space<hbm>>
      %dma_start3A_59 = tpu.memref_slice %arg5[%add3A_31, %mul3A_33] : memref<10112x128xf32, #tpu.memory_space<hbm>> -> memref<128x64xf32, #tpu.memory_space<hbm>>
      tpu.enqueue_dma source(%arg8 : memref<128x64xf32, #tpu.memory_space<vmem>>) target(%dma_start3A_59 : memref<128x64xf32, #tpu.memory_space<hbm>>) target_semaphore(%run_scoped3A_58 : memref<!tpu.dma_semaphore, #tpu.memory_space<semaphore_mem>>)
      %dma_wait3A = tpu.memref_slice %arg5[%add3A_31, %mul3A_33] : memref<10112x128xf32, #tpu.memory_space<hbm>> -> memref<128x64xf32, #tpu.memory_space<hbm>>
      %dma_wait3A_60 = tpu.memref_slice %arg5[%add3A_31, %mul3A_33] : memref<10112x128xf32, #tpu.memory_space<hbm>> -> memref<128x64xf32, #tpu.memory_space<hbm>>
      tpu.wait_dma2 semaphore(%run_scoped3A_58 : memref<!tpu.dma_semaphore, #tpu.memory_space<semaphore_mem>>) src(%arg8 : memref<128x64xf32, #tpu.memory_space<vmem>>) dst(%dma_wait3A_60 : memref<128x64xf32, #tpu.memory_space<hbm>>)
      tpu.yield
    }) : () -> ()
    %add3A_34 = arith.constant 128 : i32
    %add3A_35 = arith.addi %mul3A_6, %add3A_34 : i32
    "tpu.region"() ({
      %run_scoped3A_58 = tpu.sem_alloc : memref<!tpu.dma_semaphore, #tpu.memory_space<semaphore_mem>>
      %dma_start3A = arith.constant 0 : i32
      %dma_start3A_59 = tpu.memref_slice %arg11[%add3A_35, %dma_start3A] : memref<10112x64xf32, #tpu.memory_space<vmem_shared>> -> memref<128x64xf32, #tpu.memory_space<vmem_shared>>
      %dma_start3A_60 = arith.constant 0 : i32
      %dma_start3A_61 = tpu.memref_slice %arg11[%add3A_35, %dma_start3A_60] : memref<10112x64xf32, #tpu.memory_space<vmem_shared>> -> memref<128x64xf32, #tpu.memory_space<vmem_shared>>
      tpu.enqueue_dma source(%dma_start3A_61 : memref<128x64xf32, #tpu.memory_space<vmem_shared>>) target(%arg8 : memref<128x64xf32, #tpu.memory_space<vmem>>) target_semaphore(%run_scoped3A_58 : memref<!tpu.dma_semaphore, #tpu.memory_space<semaphore_mem>>)
      %dma_wait3A = arith.constant 0 : i32
      %dma_wait3A_62 = tpu.memref_slice %arg11[%add3A_35, %dma_wait3A] : memref<10112x64xf32, #tpu.memory_space<vmem_shared>> -> memref<128x64xf32, #tpu.memory_space<vmem_shared>>
      %dma_wait3A_63 = arith.constant 0 : i32
      %dma_wait3A_64 = tpu.memref_slice %arg11[%add3A_35, %dma_wait3A_63] : memref<10112x64xf32, #tpu.memory_space<vmem_shared>> -> memref<128x64xf32, #tpu.memory_space<vmem_shared>>
      tpu.wait_dma2 semaphore(%run_scoped3A_58 : memref<!tpu.dma_semaphore, #tpu.memory_space<semaphore_mem>>) src(%dma_wait3A_64 : memref<128x64xf32, #tpu.memory_space<vmem_shared>>) dst(%arg8 : memref<128x64xf32, #tpu.memory_space<vmem>>)
      tpu.yield
    }) : () -> ()
    %add3A_36 = arith.constant 128 : i32
    %add3A_37 = arith.addi %mul3A_6, %add3A_36 : i32
    %mul3A_38 = arith.constant 64 : i32
    %mul3A_39 = arith.muli %arg0, %mul3A_38 : i32
    "tpu.region"() ({
      %run_scoped3A_58 = tpu.sem_alloc : memref<!tpu.dma_semaphore, #tpu.memory_space<semaphore_mem>>
      %dma_start3A = tpu.memref_slice %arg5[%add3A_37, %mul3A_39] : memref<10112x128xf32, #tpu.memory_space<hbm>> -> memref<128x64xf32, #tpu.memory_space<hbm>>
      %dma_start3A_59 = tpu.memref_slice %arg5[%add3A_37, %mul3A_39] : memref<10112x128xf32, #tpu.memory_space<hbm>> -> memref<128x64xf32, #tpu.memory_space<hbm>>
      tpu.enqueue_dma source(%arg8 : memref<128x64xf32, #tpu.memory_space<vmem>>) target(%dma_start3A_59 : memref<128x64xf32, #tpu.memory_space<hbm>>) target_semaphore(%run_scoped3A_58 : memref<!tpu.dma_semaphore, #tpu.memory_space<semaphore_mem>>)
      %dma_wait3A = tpu.memref_slice %arg5[%add3A_37, %mul3A_39] : memref<10112x128xf32, #tpu.memory_space<hbm>> -> memref<128x64xf32, #tpu.memory_space<hbm>>
      %dma_wait3A_60 = tpu.memref_slice %arg5[%add3A_37, %mul3A_39] : memref<10112x128xf32, #tpu.memory_space<hbm>> -> memref<128x64xf32, #tpu.memory_space<hbm>>
      tpu.wait_dma2 semaphore(%run_scoped3A_58 : memref<!tpu.dma_semaphore, #tpu.memory_space<semaphore_mem>>) src(%arg8 : memref<128x64xf32, #tpu.memory_space<vmem>>) dst(%dma_wait3A_60 : memref<128x64xf32, #tpu.memory_space<hbm>>)
      tpu.yield
    }) : () -> ()
    %add3A_40 = arith.constant 256 : i32
    %add3A_41 = arith.addi %mul3A_6, %add3A_40 : i32
    "tpu.region"() ({
      %run_scoped3A_58 = tpu.sem_alloc : memref<!tpu.dma_semaphore, #tpu.memory_space<semaphore_mem>>
      %dma_start3A = arith.constant 0 : i32
      %dma_start3A_59 = tpu.memref_slice %arg11[%add3A_41, %dma_start3A] : memref<10112x64xf32, #tpu.memory_space<vmem_shared>> -> memref<128x64xf32, #tpu.memory_space<vmem_shared>>
      %dma_start3A_60 = arith.constant 0 : i32
      %dma_start3A_61 = tpu.memref_slice %arg11[%add3A_41, %dma_start3A_60] : memref<10112x64xf32, #tpu.memory_space<vmem_shared>> -> memref<128x64xf32, #tpu.memory_space<vmem_shared>>
      tpu.enqueue_dma source(%dma_start3A_61 : memref<128x64xf32, #tpu.memory_space<vmem_shared>>) target(%arg8 : memref<128x64xf32, #tpu.memory_space<vmem>>) target_semaphore(%run_scoped3A_58 : memref<!tpu.dma_semaphore, #tpu.memory_space<semaphore_mem>>)
      %dma_wait3A = arith.constant 0 : i32
      %dma_wait3A_62 = tpu.memref_slice %arg11[%add3A_41, %dma_wait3A] : memref<10112x64xf32, #tpu.memory_space<vmem_shared>> -> memref<128x64xf32, #tpu.memory_space<vmem_shared>>
      %dma_wait3A_63 = arith.constant 0 : i32
      %dma_wait3A_64 = tpu.memref_slice %arg11[%add3A_41, %dma_wait3A_63] : memref<10112x64xf32, #tpu.memory_space<vmem_shared>> -> memref<128x64xf32, #tpu.memory_space<vmem_shared>>
      tpu.wait_dma2 semaphore(%run_scoped3A_58 : memref<!tpu.dma_semaphore, #tpu.memory_space<semaphore_mem>>) src(%dma_wait3A_64 : memref<128x64xf32, #tpu.memory_space<vmem_shared>>) dst(%arg8 : memref<128x64xf32, #tpu.memory_space<vmem>>)
      tpu.yield
    }) : () -> ()
    %add3A_42 = arith.constant 256 : i32
    %add3A_43 = arith.addi %mul3A_6, %add3A_42 : i32
    %mul3A_44 = arith.constant 64 : i32
    %mul3A_45 = arith.muli %arg0, %mul3A_44 : i32
    "tpu.region"() ({
      %run_scoped3A_58 = tpu.sem_alloc : memref<!tpu.dma_semaphore, #tpu.memory_space<semaphore_mem>>
      %dma_start3A = tpu.memref_slice %arg5[%add3A_43, %mul3A_45] : memref<10112x128xf32, #tpu.memory_space<hbm>> -> memref<128x64xf32, #tpu.memory_space<hbm>>
      %dma_start3A_59 = tpu.memref_slice %arg5[%add3A_43, %mul3A_45] : memref<10112x128xf32, #tpu.memory_space<hbm>> -> memref<128x64xf32, #tpu.memory_space<hbm>>
      tpu.enqueue_dma source(%arg8 : memref<128x64xf32, #tpu.memory_space<vmem>>) target(%dma_start3A_59 : memref<128x64xf32, #tpu.memory_space<hbm>>) target_semaphore(%run_scoped3A_58 : memref<!tpu.dma_semaphore, #tpu.memory_space<semaphore_mem>>)
      %dma_wait3A = tpu.memref_slice %arg5[%add3A_43, %mul3A_45] : memref<10112x128xf32, #tpu.memory_space<hbm>> -> memref<128x64xf32, #tpu.memory_space<hbm>>
      %dma_wait3A_60 = tpu.memref_slice %arg5[%add3A_43, %mul3A_45] : memref<10112x128xf32, #tpu.memory_space<hbm>> -> memref<128x64xf32, #tpu.memory_space<hbm>>
      tpu.wait_dma2 semaphore(%run_scoped3A_58 : memref<!tpu.dma_semaphore, #tpu.memory_space<semaphore_mem>>) src(%arg8 : memref<128x64xf32, #tpu.memory_space<vmem>>) dst(%dma_wait3A_60 : memref<128x64xf32, #tpu.memory_space<hbm>>)
      tpu.yield
    }) : () -> ()
    %add3A_46 = arith.constant 384 : i32
    %add3A_47 = arith.addi %mul3A_6, %add3A_46 : i32
    "tpu.region"() ({
      %run_scoped3A_58 = tpu.sem_alloc : memref<!tpu.dma_semaphore, #tpu.memory_space<semaphore_mem>>
      %dma_start3A = arith.constant 0 : i32
      %dma_start3A_59 = tpu.memref_slice %arg11[%add3A_47, %dma_start3A] : memref<10112x64xf32, #tpu.memory_space<vmem_shared>> -> memref<128x64xf32, #tpu.memory_space<vmem_shared>>
      %dma_start3A_60 = arith.constant 0 : i32
      %dma_start3A_61 = tpu.memref_slice %arg11[%add3A_47, %dma_start3A_60] : memref<10112x64xf32, #tpu.memory_space<vmem_shared>> -> memref<128x64xf32, #tpu.memory_space<vmem_shared>>
      tpu.enqueue_dma source(%dma_start3A_61 : memref<128x64xf32, #tpu.memory_space<vmem_shared>>) target(%arg8 : memref<128x64xf32, #tpu.memory_space<vmem>>) target_semaphore(%run_scoped3A_58 : memref<!tpu.dma_semaphore, #tpu.memory_space<semaphore_mem>>)
      %dma_wait3A = arith.constant 0 : i32
      %dma_wait3A_62 = tpu.memref_slice %arg11[%add3A_47, %dma_wait3A] : memref<10112x64xf32, #tpu.memory_space<vmem_shared>> -> memref<128x64xf32, #tpu.memory_space<vmem_shared>>
      %dma_wait3A_63 = arith.constant 0 : i32
      %dma_wait3A_64 = tpu.memref_slice %arg11[%add3A_47, %dma_wait3A_63] : memref<10112x64xf32, #tpu.memory_space<vmem_shared>> -> memref<128x64xf32, #tpu.memory_space<vmem_shared>>
      tpu.wait_dma2 semaphore(%run_scoped3A_58 : memref<!tpu.dma_semaphore, #tpu.memory_space<semaphore_mem>>) src(%dma_wait3A_64 : memref<128x64xf32, #tpu.memory_space<vmem_shared>>) dst(%arg8 : memref<128x64xf32, #tpu.memory_space<vmem>>)
      tpu.yield
    }) : () -> ()
    %add3A_48 = arith.constant 384 : i32
    %add3A_49 = arith.addi %mul3A_6, %add3A_48 : i32
    %mul3A_50 = arith.constant 64 : i32
    %mul3A_51 = arith.muli %arg0, %mul3A_50 : i32
    "tpu.region"() ({
      %run_scoped3A_58 = tpu.sem_alloc : memref<!tpu.dma_semaphore, #tpu.memory_space<semaphore_mem>>
      %dma_start3A = tpu.memref_slice %arg5[%add3A_49, %mul3A_51] : memref<10112x128xf32, #tpu.memory_space<hbm>> -> memref<128x64xf32, #tpu.memory_space<hbm>>
      %dma_start3A_59 = tpu.memref_slice %arg5[%add3A_49, %mul3A_51] : memref<10112x128xf32, #tpu.memory_space<hbm>> -> memref<128x64xf32, #tpu.memory_space<hbm>>
      tpu.enqueue_dma source(%arg8 : memref<128x64xf32, #tpu.memory_space<vmem>>) target(%dma_start3A_59 : memref<128x64xf32, #tpu.memory_space<hbm>>) target_semaphore(%run_scoped3A_58 : memref<!tpu.dma_semaphore, #tpu.memory_space<semaphore_mem>>)
      %dma_wait3A = tpu.memref_slice %arg5[%add3A_49, %mul3A_51] : memref<10112x128xf32, #tpu.memory_space<hbm>> -> memref<128x64xf32, #tpu.memory_space<hbm>>
      %dma_wait3A_60 = tpu.memref_slice %arg5[%add3A_49, %mul3A_51] : memref<10112x128xf32, #tpu.memory_space<hbm>> -> memref<128x64xf32, #tpu.memory_space<hbm>>
      tpu.wait_dma2 semaphore(%run_scoped3A_58 : memref<!tpu.dma_semaphore, #tpu.memory_space<semaphore_mem>>) src(%arg8 : memref<128x64xf32, #tpu.memory_space<vmem>>) dst(%dma_wait3A_60 : memref<128x64xf32, #tpu.memory_space<hbm>>)
      tpu.yield
    }) : () -> ()
    %add3A_52 = arith.constant 512 : i32
    %add3A_53 = arith.addi %mul3A_6, %add3A_52 : i32
    "tpu.region"() ({
      %run_scoped3A_58 = tpu.sem_alloc : memref<!tpu.dma_semaphore, #tpu.memory_space<semaphore_mem>>
      %dma_start3A = arith.constant 0 : i32
      %dma_start3A_59 = arith.constant 0 : i32
      %dma_start3A_60 = tpu.memref_slice %arg8[%dma_start3A, %dma_start3A_59] : memref<128x64xf32, #tpu.memory_space<vmem>> -> memref<120x64xf32, #tpu.memory_space<vmem>>
      %dma_start3A_61 = arith.constant 0 : i32
      %dma_start3A_62 = tpu.memref_slice %arg11[%add3A_53, %dma_start3A_61] : memref<10112x64xf32, #tpu.memory_space<vmem_shared>> -> memref<120x64xf32, #tpu.memory_space<vmem_shared>>
      %dma_start3A_63 = arith.constant 0 : i32
      %dma_start3A_64 = arith.constant 0 : i32
      %dma_start3A_65 = tpu.memref_slice %arg8[%dma_start3A_63, %dma_start3A_64] : memref<128x64xf32, #tpu.memory_space<vmem>> -> memref<120x64xf32, #tpu.memory_space<vmem>>
      %dma_start3A_66 = arith.constant 0 : i32
      %dma_start3A_67 = tpu.memref_slice %arg11[%add3A_53, %dma_start3A_66] : memref<10112x64xf32, #tpu.memory_space<vmem_shared>> -> memref<120x64xf32, #tpu.memory_space<vmem_shared>>
      tpu.enqueue_dma source(%dma_start3A_67 : memref<120x64xf32, #tpu.memory_space<vmem_shared>>) target(%dma_start3A_65 : memref<120x64xf32, #tpu.memory_space<vmem>>) target_semaphore(%run_scoped3A_58 : memref<!tpu.dma_semaphore, #tpu.memory_space<semaphore_mem>>)
      %dma_wait3A = arith.constant 0 : i32
      %dma_wait3A_68 = arith.constant 0 : i32
      %dma_wait3A_69 = tpu.memref_slice %arg8[%dma_wait3A, %dma_wait3A_68] : memref<128x64xf32, #tpu.memory_space<vmem>> -> memref<120x64xf32, #tpu.memory_space<vmem>>
      %dma_wait3A_70 = arith.constant 0 : i32
      %dma_wait3A_71 = tpu.memref_slice %arg11[%add3A_53, %dma_wait3A_70] : memref<10112x64xf32, #tpu.memory_space<vmem_shared>> -> memref<120x64xf32, #tpu.memory_space<vmem_shared>>
      %dma_wait3A_72 = arith.constant 0 : i32
      %dma_wait3A_73 = arith.constant 0 : i32
      %dma_wait3A_74 = tpu.memref_slice %arg8[%dma_wait3A_72, %dma_wait3A_73] : memref<128x64xf32, #tpu.memory_space<vmem>> -> memref<120x64xf32, #tpu.memory_space<vmem>>
      %dma_wait3A_75 = arith.constant 0 : i32
      %dma_wait3A_76 = tpu.memref_slice %arg11[%add3A_53, %dma_wait3A_75] : memref<10112x64xf32, #tpu.memory_space<vmem_shared>> -> memref<120x64xf32, #tpu.memory_space<vmem_shared>>
      tpu.wait_dma2 semaphore(%run_scoped3A_58 : memref<!tpu.dma_semaphore, #tpu.memory_space<semaphore_mem>>) src(%dma_wait3A_76 : memref<120x64xf32, #tpu.memory_space<vmem_shared>>) dst(%dma_wait3A_74 : memref<120x64xf32, #tpu.memory_space<vmem>>)
      tpu.yield
    }) : () -> ()
    %add3A_54 = arith.constant 512 : i32
    %add3A_55 = arith.addi %mul3A_6, %add3A_54 : i32
    %mul3A_56 = arith.constant 64 : i32
    %mul3A_57 = arith.muli %arg0, %mul3A_56 : i32
    "tpu.region"() ({
      %run_scoped3A_58 = tpu.sem_alloc : memref<!tpu.dma_semaphore, #tpu.memory_space<semaphore_mem>>
      %dma_start3A = arith.constant 0 : i32
      %dma_start3A_59 = arith.constant 0 : i32
      %dma_start3A_60 = tpu.memref_slice %arg8[%dma_start3A, %dma_start3A_59] : memref<128x64xf32, #tpu.memory_space<vmem>> -> memref<120x64xf32, #tpu.memory_space<vmem>>
      %dma_start3A_61 = tpu.memref_slice %arg5[%add3A_55, %mul3A_57] : memref<10112x128xf32, #tpu.memory_space<hbm>> -> memref<120x64xf32, #tpu.memory_space<hbm>>
      %dma_start3A_62 = tpu.memref_slice %arg5[%add3A_55, %mul3A_57] : memref<10112x128xf32, #tpu.memory_space<hbm>> -> memref<120x64xf32, #tpu.memory_space<hbm>>
      %dma_start3A_63 = arith.constant 0 : i32
      %dma_start3A_64 = arith.constant 0 : i32
      %dma_start3A_65 = tpu.memref_slice %arg8[%dma_start3A_63, %dma_start3A_64] : memref<128x64xf32, #tpu.memory_space<vmem>> -> memref<120x64xf32, #tpu.memory_space<vmem>>
      tpu.enqueue_dma source(%dma_start3A_65 : memref<120x64xf32, #tpu.memory_space<vmem>>) target(%dma_start3A_62 : memref<120x64xf32, #tpu.memory_space<hbm>>) target_semaphore(%run_scoped3A_58 : memref<!tpu.dma_semaphore, #tpu.memory_space<semaphore_mem>>)
      %dma_wait3A = arith.constant 0 : i32
      %dma_wait3A_66 = arith.constant 0 : i32
      %dma_wait3A_67 = tpu.memref_slice %arg8[%dma_wait3A, %dma_wait3A_66] : memref<128x64xf32, #tpu.memory_space<vmem>> -> memref<120x64xf32, #tpu.memory_space<vmem>>
      %dma_wait3A_68 = tpu.memref_slice %arg5[%add3A_55, %mul3A_57] : memref<10112x128xf32, #tpu.memory_space<hbm>> -> memref<120x64xf32, #tpu.memory_space<hbm>>
      %dma_wait3A_69 = tpu.memref_slice %arg5[%add3A_55, %mul3A_57] : memref<10112x128xf32, #tpu.memory_space<hbm>> -> memref<120x64xf32, #tpu.memory_space<hbm>>
      %dma_wait3A_70 = arith.constant 0 : i32
      %dma_wait3A_71 = arith.constant 0 : i32
      %dma_wait3A_72 = tpu.memref_slice %arg8[%dma_wait3A_70, %dma_wait3A_71] : memref<128x64xf32, #tpu.memory_space<vmem>> -> memref<120x64xf32, #tpu.memory_space<vmem>>
      tpu.wait_dma2 semaphore(%run_scoped3A_58 : memref<!tpu.dma_semaphore, #tpu.memory_space<semaphore_mem>>) src(%dma_wait3A_72 : memref<120x64xf32, #tpu.memory_space<vmem>>) dst(%dma_wait3A_69 : memref<120x64xf32, #tpu.memory_space<hbm>>)
      tpu.yield
    }) : () -> ()
    return
  }
}

module attributes {stable_mosaic.version = 14 : i64} {
  func.func @_mlp1_body(%arg0: i32, %arg1: memref<1000x128xf32, #tpu.memory_space<vmem>>, %arg2: memref<128x128xf32, #tpu.memory_space<vmem>>, %arg3: memref<128x128xf32, #tpu.memory_space<vmem>>, %arg4: memref<1000x128xf32, #tpu.memory_space<vmem>>) attributes {dimension_semantics = [#tpu.dimension_semantics<arbitrary>], iteration_bounds = array<i64: 10>, scalar_prefetch = 0 : i64, scratch_operands = 0 : i64, tpu.core_type = #tpu.core_type<tc>, window_params = [{transform_indices = @transform_0, window_bounds = array<i64: 1000, 128>}, {pipeline_mode = #tpu.pipeline_mode<synchronous>, transform_indices = @transform_1, window_bounds = array<i64: 128, 128>}, {pipeline_mode = #tpu.pipeline_mode<synchronous>, transform_indices = @transform_2, window_bounds = array<i64: 128, 128>}, {transform_indices = @transform_3, window_bounds = array<i64: 1000, 128>}]} {
    %get3A = arith.constant 0 : index
    %get3A_0 = arith.constant 0 : index
    %get3A_1 = vector.load %arg1[%get3A, %get3A_0] : memref<1000x128xf32, #tpu.memory_space<vmem>>, vector<1000x128xf32>
    %get3A_2 = arith.constant 0 : index
    %get3A_3 = arith.constant 0 : index
    %get3A_4 = vector.load %arg2[%get3A_2, %get3A_3] : memref<128x128xf32, #tpu.memory_space<vmem>>, vector<128x128xf32>
    %dot_general3A = arith.constant dense<0.000000e+00> : vector<1000x128xf32>
    %dot_general3A_5 = tpu.matmul %get3A_1, %get3A_4, %dot_general3A {dimension_numbers = #tpu.dot_dimension_numbers<[1], [0], [0], [1], [0, 0, 1, 1], [], []>, transpose_lhs_hint = false} : vector<1000x128xf32>, vector<128x128xf32>, vector<1000x128xf32> -> vector<1000x128xf32>
    %max3A = arith.constant 0.000000e+00 : f32
    %max3A_6 = vector.broadcast %max3A : f32 to vector<1000x128xf32>
    %max3A_7 = arith.maximumf %dot_general3A_5, %max3A_6 : vector<1000x128xf32>
    %get3A_8 = arith.constant 0 : index
    %get3A_9 = arith.constant 0 : index
    %get3A_10 = vector.load %arg3[%get3A_8, %get3A_9] : memref<128x128xf32, #tpu.memory_space<vmem>>, vector<128x128xf32>
    %dot_general3A_11 = arith.constant dense<0.000000e+00> : vector<1000x128xf32>
    %dot_general3A_12 = tpu.matmul %max3A_7, %get3A_10, %dot_general3A_11 {dimension_numbers = #tpu.dot_dimension_numbers<[1], [0], [0], [1], [0, 0, 1, 1], [], []>, transpose_lhs_hint = false} : vector<1000x128xf32>, vector<128x128xf32>, vector<1000x128xf32> -> vector<1000x128xf32>
    %swap3A = arith.constant 0 : index
    %swap3A_13 = arith.constant 0 : index
    %swap3A_14 = vector.load %arg4[%swap3A, %swap3A_13] : memref<1000x128xf32, #tpu.memory_space<vmem>>, vector<1000x128xf32>
    tpu.vector_store %arg4[%swap3A, %swap3A_13], %dot_general3A_12 {strides = array<i32>} : memref<1000x128xf32, #tpu.memory_space<vmem>>, vector<1000x128xf32>,
    return
  }
  func.func @transform_0(%arg0: i32) -> (i32, i32) {
    %c0_i32 = arith.constant 0 : i32
    %c0_i32_0 = arith.constant 0 : i32
    return %arg0, %c0_i32 : i32, i32
  }
  func.func @transform_1(%arg0: i32) -> (i32, i32) {
    %c0_i32 = arith.constant 0 : i32
    %c0_i32_0 = arith.constant 0 : i32
    %c0_i32_1 = arith.constant 0 : i32
    return %c0_i32, %c0_i32_0 : i32, i32
  }
  func.func @transform_2(%arg0: i32) -> (i32, i32) {
    %c0_i32 = arith.constant 0 : i32
    %c0_i32_0 = arith.constant 0 : i32
    %c0_i32_1 = arith.constant 0 : i32
    return %c0_i32, %c0_i32_0 : i32, i32
  }
  func.func @transform_3(%arg0: i32) -> (i32, i32) {
    %c0_i32 = arith.constant 0 : i32
    %c0_i32_0 = arith.constant 0 : i32
    return %arg0, %c0_i32 : i32, i32
  }
}

module attributes {stable_mosaic.version = 14 : i64} {
  func.func @_mlp2_body(%arg0: i32, %arg1: memref<1000x128xf32, #tpu.memory_space<vmem>>, %arg2: memref<1000x128xf32, #tpu.memory_space<vmem>>, %arg3: memref<128x128xf32, #tpu.memory_space<vmem>>, %arg4: memref<128x128xf32, #tpu.memory_space<vmem>>, %arg5: memref<128x128xf32, #tpu.memory_space<vmem>>, %arg6: memref<1x128xf32, #tpu.memory_space<vmem>>, %arg7: memref<1x128xf32, #tpu.memory_space<vmem>>, %arg8: memref<1x128xf32, #tpu.memory_space<vmem>>, %arg9: memref<1x128xf32, #tpu.memory_space<vmem>>, %arg10: memref<1x128xf32, #tpu.memory_space<vmem>>, %arg11: memref<1000x128xf32, #tpu.memory_space<vmem>>) attributes {dimension_semantics = [#tpu.dimension_semantics<arbitrary>], iteration_bounds = array<i64: 10>, scalar_prefetch = 0 : i64, scratch_operands = 0 : i64, tpu.core_type = #tpu.core_type<tc>, window_params = [{transform_indices = @transform_0, window_bounds = array<i64: 1000, 128>}, {transform_indices = @transform_1, window_bounds = array<i64: 1000, 128>}, {pipeline_mode = #tpu.pipeline_mode<synchronous>, transform_indices = @transform_2, window_bounds = array<i64: 128, 128>}, {pipeline_mode = #tpu.pipeline_mode<synchronous>, transform_indices = @transform_3, window_bounds = array<i64: 128, 128>}, {pipeline_mode = #tpu.pipeline_mode<synchronous>, transform_indices = @transform_4, window_bounds = array<i64: 128, 128>}, {pipeline_mode = #tpu.pipeline_mode<synchronous>, transform_indices = @transform_5, window_bounds = array<i64: 1, 128>}, {pipeline_mode = #tpu.pipeline_mode<synchronous>, transform_indices = @transform_6, window_bounds = array<i64: 1, 128>}, {pipeline_mode = #tpu.pipeline_mode<synchronous>, transform_indices = @transform_7, window_bounds = array<i64: 1, 128>}, {pipeline_mode = #tpu.pipeline_mode<synchronous>, transform_indices = @transform_8, window_bounds = array<i64: 1, 128>}, {pipeline_mode = #tpu.pipeline_mode<synchronous>, transform_indices = @transform_9, window_bounds = array<i64: 1, 128>}, {transform_indices = @transform_10, window_bounds = array<i64: 1000, 128>}]} {
    %get3A = arith.constant 0 : index
    %get3A_0 = arith.constant 0 : index
    %get3A_1 = vector.load %arg2[%get3A, %get3A_0] : memref<1000x128xf32, #tpu.memory_space<vmem>>, vector<1000x128xf32>
    %get3A_2 = arith.constant 0 : index
    %get3A_3 = arith.constant 0 : index
    %get3A_4 = vector.load %arg6[%get3A_2, %get3A_3] : memref<1x128xf32, #tpu.memory_space<vmem>>, vector<1x128xf32>
    %get3A_5 = arith.constant 0 : index
    %get3A_6 = arith.constant 0 : index
    %get3A_7 = vector.load %arg7[%get3A_5, %get3A_6] : memref<1x128xf32, #tpu.memory_space<vmem>>, vector<1x128xf32>
    %reduce_sum3A = arith.constant dense<0.000000e+00> : vector<1000xf32>
    %reduce_sum3A_8 = vector.multi_reduction <add>, %get3A_1, %reduce_sum3A [1] : vector<1000x128xf32> to vector<1000xf32>
    %broadcast_in_dim3A = vector.shape_cast %reduce_sum3A_8 : vector<1000xf32> to vector<1000x1xf32>
    %div3A = arith.constant 1.280000e+02 : f32
    %div3A_9 = vector.broadcast %div3A : f32 to vector<1000x1xf32>
    %div3A_10 = arith.divf %broadcast_in_dim3A, %div3A_9 : vector<1000x1xf32>
    %sub3A = vector.broadcast %div3A_10 : vector<1000x1xf32> to vector<1000x128xf32>
    %sub3A_11 = arith.subf %get3A_1, %sub3A : vector<1000x128xf32>
    %integer_pow3A = arith.mulf %sub3A_11, %sub3A_11 : vector<1000x128xf32>
    %reduce_sum3A_12 = arith.constant dense<0.000000e+00> : vector<1000xf32>
    %reduce_sum3A_13 = vector.multi_reduction <add>, %integer_pow3A, %reduce_sum3A_12 [1] : vector<1000x128xf32> to vector<1000xf32>
    %broadcast_in_dim3A_14 = vector.shape_cast %reduce_sum3A_13 : vector<1000xf32> to vector<1000x1xf32>
    %div3A_15 = arith.constant 1.280000e+02 : f32
    %div3A_16 = vector.broadcast %div3A_15 : f32 to vector<1000x1xf32>
    %div3A_17 = arith.divf %broadcast_in_dim3A_14, %div3A_16 : vector<1000x1xf32>
    %sub3A_18 = vector.broadcast %div3A_10 : vector<1000x1xf32> to vector<1000x128xf32>
    %sub3A_19 = arith.subf %get3A_1, %sub3A_18 : vector<1000x128xf32>
    %add3A = arith.constant 9.99999974E-6 : f32
    %add3A_20 = vector.broadcast %add3A : f32 to vector<1000x1xf32>
    %add3A_21 = arith.addf %div3A_17, %add3A_20 : vector<1000x1xf32>
    %rsqrt3A = math.rsqrt %add3A_21 : vector<1000x1xf32>
    %mul3A = vector.broadcast %rsqrt3A : vector<1000x1xf32> to vector<1000x128xf32>
    %mul3A_22 = arith.mulf %sub3A_19, %mul3A : vector<1000x128xf32>
    %mul3A_23 = vector.broadcast %get3A_4 : vector<1x128xf32> to vector<1000x128xf32>
    %mul3A_24 = arith.mulf %mul3A_22, %mul3A_23 : vector<1000x128xf32>
    %add3A_25 = vector.broadcast %get3A_7 : vector<1x128xf32> to vector<1000x128xf32>
    %add3A_26 = arith.addf %mul3A_24, %add3A_25 : vector<1000x128xf32>
    %get3A_27 = arith.constant 0 : index
    %get3A_28 = arith.constant 0 : index
    %get3A_29 = vector.load %arg1[%get3A_27, %get3A_28] : memref<1000x128xf32, #tpu.memory_space<vmem>>, vector<1000x128xf32>
    %get3A_30 = arith.constant 0 : index
    %get3A_31 = arith.constant 0 : index
    %get3A_32 = vector.load %arg1[%get3A_30, %get3A_31] : memref<1000x128xf32, #tpu.memory_space<vmem>>, vector<1000x128xf32>
    %sub3A_33 = arith.subf %get3A_32, %add3A_26 : vector<1000x128xf32>
    %get3A_34 = arith.constant 0 : index
    %get3A_35 = arith.constant 0 : index
    %get3A_36 = vector.load %arg10[%get3A_34, %get3A_35] : memref<1x128xf32, #tpu.memory_space<vmem>>, vector<1x128xf32>
    %mul3A_37 = vector.broadcast %get3A_36 : vector<1x128xf32> to vector<1000x128xf32>
    %mul3A_38 = arith.mulf %sub3A_33, %mul3A_37 : vector<1000x128xf32>
    %add3A_39 = arith.addf %get3A_29, %mul3A_38 : vector<1000x128xf32>
    %get3A_40 = arith.constant 0 : index
    %get3A_41 = arith.constant 0 : index
    %get3A_42 = vector.load %arg8[%get3A_40, %get3A_41] : memref<1x128xf32, #tpu.memory_space<vmem>>, vector<1x128xf32>
    %get3A_43 = arith.constant 0 : index
    %get3A_44 = arith.constant 0 : index
    %get3A_45 = vector.load %arg9[%get3A_43, %get3A_44] : memref<1x128xf32, #tpu.memory_space<vmem>>, vector<1x128xf32>
    %reduce_sum3A_46 = arith.constant dense<0.000000e+00> : vector<1000xf32>
    %reduce_sum3A_47 = vector.multi_reduction <add>, %add3A_39, %reduce_sum3A_46 [1] : vector<1000x128xf32> to vector<1000xf32>
    %broadcast_in_dim3A_48 = vector.shape_cast %reduce_sum3A_47 : vector<1000xf32> to vector<1000x1xf32>
    %div3A_49 = arith.constant 1.280000e+02 : f32
    %div3A_50 = vector.broadcast %div3A_49 : f32 to vector<1000x1xf32>
    %div3A_51 = arith.divf %broadcast_in_dim3A_48, %div3A_50 : vector<1000x1xf32>
    %sub3A_52 = vector.broadcast %div3A_51 : vector<1000x1xf32> to vector<1000x128xf32>
    %sub3A_53 = arith.subf %add3A_39, %sub3A_52 : vector<1000x128xf32>
    %integer_pow3A_54 = arith.mulf %sub3A_53, %sub3A_53 : vector<1000x128xf32>
    %reduce_sum3A_55 = arith.constant dense<0.000000e+00> : vector<1000xf32>
    %reduce_sum3A_56 = vector.multi_reduction <add>, %integer_pow3A_54, %reduce_sum3A_55 [1] : vector<1000x128xf32> to vector<1000xf32>
    %broadcast_in_dim3A_57 = vector.shape_cast %reduce_sum3A_56 : vector<1000xf32> to vector<1000x1xf32>
    %div3A_58 = arith.constant 1.280000e+02 : f32
    %div3A_59 = vector.broadcast %div3A_58 : f32 to vector<1000x1xf32>
    %div3A_60 = arith.divf %broadcast_in_dim3A_57, %div3A_59 : vector<1000x1xf32>
    %sub3A_61 = vector.broadcast %div3A_51 : vector<1000x1xf32> to vector<1000x128xf32>
    %sub3A_62 = arith.subf %add3A_39, %sub3A_61 : vector<1000x128xf32>
    %add3A_63 = arith.constant 9.99999974E-6 : f32
    %add3A_64 = vector.broadcast %add3A_63 : f32 to vector<1000x1xf32>
    %add3A_65 = arith.addf %div3A_60, %add3A_64 : vector<1000x1xf32>
    %rsqrt3A_66 = math.rsqrt %add3A_65 : vector<1000x1xf32>
    %mul3A_67 = vector.broadcast %rsqrt3A_66 : vector<1000x1xf32> to vector<1000x128xf32>
    %mul3A_68 = arith.mulf %sub3A_62, %mul3A_67 : vector<1000x128xf32>
    %mul3A_69 = vector.broadcast %get3A_42 : vector<1x128xf32> to vector<1000x128xf32>
    %mul3A_70 = arith.mulf %mul3A_68, %mul3A_69 : vector<1000x128xf32>
    %add3A_71 = vector.broadcast %get3A_45 : vector<1x128xf32> to vector<1000x128xf32>
    %add3A_72 = arith.addf %mul3A_70, %add3A_71 : vector<1000x128xf32>
    %get3A_73 = arith.constant 0 : index
    %get3A_74 = arith.constant 0 : index
    %get3A_75 = vector.load %arg3[%get3A_73, %get3A_74] : memref<128x128xf32, #tpu.memory_space<vmem>>, vector<128x128xf32>
    %dot_general3A = arith.constant dense<0.000000e+00> : vector<1000x128xf32>
    %dot_general3A_76 = tpu.matmul %add3A_72, %get3A_75, %dot_general3A {dimension_numbers = #tpu.dot_dimension_numbers<[1], [0], [0], [1], [0, 0, 1, 1], [], []>, transpose_lhs_hint = false} : vector<1000x128xf32>, vector<128x128xf32>, vector<1000x128xf32> -> vector<1000x128xf32>
    %get3A_77 = arith.constant 0 : index
    %get3A_78 = arith.constant 0 : index
    %get3A_79 = vector.load %arg4[%get3A_77, %get3A_78] : memref<128x128xf32, #tpu.memory_space<vmem>>, vector<128x128xf32>
    %dot_general3A_80 = arith.constant dense<0.000000e+00> : vector<1000x128xf32>
    %dot_general3A_81 = tpu.matmul %add3A_26, %get3A_79, %dot_general3A_80 {dimension_numbers = #tpu.dot_dimension_numbers<[1], [0], [0], [1], [0, 0, 1, 1], [], []>, transpose_lhs_hint = false} : vector<1000x128xf32>, vector<128x128xf32>, vector<1000x128xf32> -> vector<1000x128xf32>
    %add3A_82 = arith.addf %dot_general3A_76, %dot_general3A_81 : vector<1000x128xf32>
    %max3A = arith.constant 0.000000e+00 : f32
    %max3A_83 = vector.broadcast %max3A : f32 to vector<1000x128xf32>
    %max3A_84 = arith.maximumf %add3A_82, %max3A_83 : vector<1000x128xf32>
    %get3A_85 = arith.constant 0 : index
    %get3A_86 = arith.constant 0 : index
    %get3A_87 = vector.load %arg5[%get3A_85, %get3A_86] : memref<128x128xf32, #tpu.memory_space<vmem>>, vector<128x128xf32>
    %dot_general3A_88 = arith.constant dense<0.000000e+00> : vector<1000x128xf32>
    %dot_general3A_89 = tpu.matmul %max3A_84, %get3A_87, %dot_general3A_88 {dimension_numbers = #tpu.dot_dimension_numbers<[1], [0], [0], [1], [0, 0, 1, 1], [], []>, transpose_lhs_hint = false} : vector<1000x128xf32>, vector<128x128xf32>, vector<1000x128xf32> -> vector<1000x128xf32>
    %swap3A = arith.constant 0 : index
    %swap3A_90 = arith.constant 0 : index
    %swap3A_91 = vector.load %arg11[%swap3A, %swap3A_90] : memref<1000x128xf32, #tpu.memory_space<vmem>>, vector<1000x128xf32>
    tpu.vector_store %arg11[%swap3A, %swap3A_90], %dot_general3A_89 {strides = array<i32>} : memref<1000x128xf32, #tpu.memory_space<vmem>>, vector<1000x128xf32>,
    return
  }
  func.func @transform_0(%arg0: i32) -> (i32, i32) {
    %c0_i32 = arith.constant 0 : i32
    %c0_i32_0 = arith.constant 0 : i32
    return %arg0, %c0_i32 : i32, i32
  }
  func.func @transform_1(%arg0: i32) -> (i32, i32) {
    %c0_i32 = arith.constant 0 : i32
    %c0_i32_0 = arith.constant 0 : i32
    return %arg0, %c0_i32 : i32, i32
  }
  func.func @transform_2(%arg0: i32) -> (i32, i32) {
    %c0_i32 = arith.constant 0 : i32
    %c0_i32_0 = arith.constant 0 : i32
    %c0_i32_1 = arith.constant 0 : i32
    return %c0_i32, %c0_i32_0 : i32, i32
  }
  func.func @transform_3(%arg0: i32) -> (i32, i32) {
    %c0_i32 = arith.constant 0 : i32
    %c0_i32_0 = arith.constant 0 : i32
    %c0_i32_1 = arith.constant 0 : i32
    return %c0_i32, %c0_i32_0 : i32, i32
  }
  func.func @transform_4(%arg0: i32) -> (i32, i32) {
    %c0_i32 = arith.constant 0 : i32
    %c0_i32_0 = arith.constant 0 : i32
    %c0_i32_1 = arith.constant 0 : i32
    return %c0_i32, %c0_i32_0 : i32, i32
  }
  func.func @transform_5(%arg0: i32) -> (i32, i32) {
    %c0_i32 = arith.constant 0 : i32
    %c0_i32_0 = arith.constant 0 : i32
    %c0_i32_1 = arith.constant 0 : i32
    return %c0_i32, %c0_i32_0 : i32, i32
  }
  func.func @transform_6(%arg0: i32) -> (i32, i32) {
    %c0_i32 = arith.constant 0 : i32
    %c0_i32_0 = arith.constant 0 : i32
    %c0_i32_1 = arith.constant 0 : i32
    return %c0_i32, %c0_i32_0 : i32, i32
  }
  func.func @transform_7(%arg0: i32) -> (i32, i32) {
    %c0_i32 = arith.constant 0 : i32
    %c0_i32_0 = arith.constant 0 : i32
    %c0_i32_1 = arith.constant 0 : i32
    return %c0_i32, %c0_i32_0 : i32, i32
  }
  func.func @transform_8(%arg0: i32) -> (i32, i32) {
    %c0_i32 = arith.constant 0 : i32
    %c0_i32_0 = arith.constant 0 : i32
    %c0_i32_1 = arith.constant 0 : i32
    return %c0_i32, %c0_i32_0 : i32, i32
  }
  func.func @transform_9(%arg0: i32) -> (i32, i32) {
    %c0_i32 = arith.constant 0 : i32
    %c0_i32_0 = arith.constant 0 : i32
    %c0_i32_1 = arith.constant 0 : i32
    return %c0_i32, %c0_i32_0 : i32, i32
  }
  func.func @transform_10(%arg0: i32) -> (i32, i32) {
    %c0_i32 = arith.constant 0 : i32
    %c0_i32_0 = arith.constant 0 : i32
    return %arg0, %c0_i32 : i32, i32
  }
}

</mosaic_0001>

<sc_bundles>
// kernel: kernel.5.cloned.1.call-start
scs
__scs_entry_jumppad:
0x0: {  	(pc) =	sbr.rel $0x88, $3  }
0x1: {  	(tag) =	ssettag $0x0;
	lr =	simm.s32 $0x1  }
0x2: {  	[smem:$0x3F96] =	sst lr;
	_ =	strace $0xD0000000  }
0x3: {  	_ = 	snop  }
0x4: {  	_ = 	snop  }
0x5: {  	_ = 	snop  }
0x6: {  	_ = 	snop  }
0x7: {  	_ = 	snop  }
__scs_overlays_trampoline_lowered:
0x8: {  	[smem:$0x3FA5] =	sst s0  }
0x9: {  	[smem:$0x3FA6] =	sst s1  }
0xa: {  	[smem:$0x3FA7] =	sst s2  }
0xb: {  	[smem:$0x3FA8] =	sst s3  }
0xc: {  	[smem:$0x3FA9] =	sst s4  }
0xd: {  	[smem:$0x3FAA] =	sst s5  }
0xe: {  	[smem:$0x3FAB] =	sst s6  }
0xf: {  	[smem:$0x3FAC] =	sst s7  }
0x10: {  	[smem:$0x3FAD] =	sst s8  }
0x11: {  	[smem:$0x3FAE] =	sst s9;
	s0 =	simm.s32 @!p0 $0x0  }
0x12: {  	s1 =	sld [smem:$0x3F94];
	s0 =	simm.s32 @p0 $0x1  }
0x13: {  	[smem:$0x3FAF] =	sst s0;
	s0 =	simm.s32 @!p1 $0x0  }
0x14: {  	s2 =	sld [smem:$0x3F93];
	s0 =	simm.s32 @p1 $0x1  }
0x15: {  	[smem:$0x3FB0] =	sst s0;
	s0 =	simm.s32 @!p2 $0x0  }
0x16: {  	s3 =	sld [smem:$0x3FDB];
	s0 =	simm.s32 @p2 $0x1  }
0x17: {  	s4 =	simm.s32 $0x1BF5;
	[smem:$0x3FB2] =	sst s0  }
0x18: {  	s0 =	sld [smem:$0x3F95];
	_ =	swait.ge [sflag:s4], $0x0  }
0x19: {  	s7 =	sld [smem:$0x3F96]  }
0x1a: {  	s8 =	sadd.s32 $0xFFFFE003, lr  }
0x1b: {  	s9 =	sadd.s32 $0xFFFFFEF7, lr;
	s5 =	simm.s32 $0xFFFFFFFF;
	p2 =	slt.u32 s8, $0xFFFFF086  }
0x1c: {  	p1 =	slt.u32 s9, $0xF7A;
	s5 =	simm.s32 @!p2 $0x0  }
0x1d: {  	s5 =	simm.s32 @p1 $0x1;
	p0 =	seq.s32 s7, s2  }
0x1e: {  	s7 =	smul.u32 @!p0 $0xF7A, s2;
	p2 =	seq.s32 @!p0 s5, $0x0  }
0x1f: {  	s9 =	smul.u32 $0xF7A, s1;
	s8 =	simm.s32 @!p0 $0x1BF5;
	p2 =	por !p2, p0  }
0x20: {  	[sflag:s8] =	ssyncset.s32 @!p0 $0xFFFFF086;
	s6 =	sadd.s32 @!p0 s3, s7;
	s7 =	simm.s32 @!p0 $0x108  }
0x21: {  	s3 =	sadd.s32 s3, s9;
	s6 =	sadd.s32 @!p0 $0x88, s6;
	s7 =	simm.s32 @p2 $0x1082  }
0x22: {  	[simem:s7], [sflag:s8] =	dma.local @!p0 [hbm:s6], $0xF7A  }
0x23: {  	s9 =	sor.u32 $0xD0000000, s2;
	s6 =	simm.s32 $0x108;
	_ =	swait.ge @!p0 [sflag:s8], $0x0  }
0x24: {  	s3 =	sadd.s32 $0x88, s3;
	s6 =	simm.s32 @!p1 $0x1082;
	[sflag:s4] =	ssyncset.s32 $0xFFFFF086  }
0x25: {  	[simem:s6], [sflag:s4] =	dma.local [hbm:s3], $0xF7A  }
0x26: {  	[smem:$0x3F96] =	sst s1;
	(tag) =	ssettag s2;
	_ =	strace s9  }
0x27: {  	s1 =	sld [smem:$0x3FA6]  }
0x28: {  	s2 =	sld [smem:$0x3FA7]  }
0x29: {  	s4 =	sld [smem:$0x3FA9]  }
0x2a: {  	p0 =	seq.s32 s5, $0x0;
	s5 =	sld [smem:$0x3FAA]  }
0x2b: {  	s6 =	sld [smem:$0x3FAB]  }
0x2c: {  	s7 =	sld [smem:$0x3FAC]  }
0x2d: {  	s3 =	simm.s32 $0x108;
	s8 =	sld [smem:$0x3FAD]  }
0x2e: {  	s3 =	simm.s32 @!p0 $0x1082;
	s9 =	sld [smem:$0x3FAE]  }
0x2f: {  	lr =	sadd.s32 s0, s3;
	s0 =	sld [smem:$0x3FA5]  }
0x30: {  	s3 =	sld [smem:$0x3FA8]  }
0x31: {  	[smem:$0x3FB1] =	sst s10  }
0x32: {  	s10 =	sld [smem:$0x3FAF];
	_ =	sdelay $0x3  }
0x33: {  	p0 =	seq.s32 s10, $0x1;
	s10 =	sld [smem:$0x3FB1];
	_ =	sdelay $0x3  }
0x34: {  	[smem:$0x3FB1] =	sst s10  }
0x35: {  	s10 =	sld [smem:$0x3FB0];
	_ =	sdelay $0x3  }
0x36: {  	p1 =	seq.s32 s10, $0x1;
	s10 =	sld [smem:$0x3FB1];
	_ =	sdelay $0x3  }
0x37: {  	[smem:$0x3FB1] =	sst s10  }
0x38: {  	s10 =	sld [smem:$0x3FB2]  }
0x39: {  	_ = 	snop;
	(pc) =	sbr.ind lr, $3  }
0x3a: {  	_ = 	snop  }
0x3b: {  	_ = 	snop  }
0x3c: {  	p2 =	seq.s32 s10, $0x1;
	s10 =	sld [smem:$0x3FB1]  }
0x3d: {  	_ =	shalt  }
0x3e: {  	_ =	shalt  }
0x3f: {  	_ =	shalt  }
0x40: {  	_ =	shalt  }
0x41: {  	_ =	shalt  }
0x42: {  	_ =	shalt  }
0x43: {  	_ =	shalt  }
0x44: {  	_ =	shalt  }
0x45: {  	_ =	shalt  }
0x46: {  	_ =	shalt  }
0x47: {  	_ =	shalt  }
0x48: {  	_ =	shalt  }
0x49: {  	_ =	shalt  }
0x4a: {  	_ =	shalt  }
0x4b: {  	_ =	shalt  }
0x4c: {  	_ =	shalt  }
0x4d: {  	_ =	shalt  }
0x4e: {  	_ =	shalt  }
0x4f: {  	_ =	shalt  }
0x50: {  	_ =	shalt  }
0x51: {  	_ =	shalt  }
0x52: {  	_ =	shalt  }
0x53: {  	_ =	shalt  }
0x54: {  	_ =	shalt  }
0x55: {  	_ =	shalt  }
0x56: {  	_ =	shalt  }
0x57: {  	_ =	shalt  }
0x58: {  	_ =	shalt  }
0x59: {  	_ =	shalt  }
0x5a: {  	_ =	shalt  }
0x5b: {  	_ =	shalt  }
0x5c: {  	_ =	shalt  }
0x5d: {  	_ =	shalt  }
0x5e: {  	_ =	shalt  }
0x5f: {  	_ =	shalt  }
0x60: {  	_ =	shalt  }
0x61: {  	_ =	shalt  }
0x62: {  	_ =	shalt  }
0x63: {  	_ =	shalt  }
0x64: {  	_ =	shalt  }
0x65: {  	_ =	shalt  }
0x66: {  	_ =	shalt  }
0x67: {  	_ =	shalt  }
0x68: {  	_ =	shalt  }
0x69: {  	_ =	shalt  }
0x6a: {  	_ =	shalt  }
0x6b: {  	_ =	shalt  }
0x6c: {  	_ =	shalt  }
0x6d: {  	_ =	shalt  }
0x6e: {  	_ =	shalt  }
0x6f: {  	_ =	shalt  }
0x70: {  	_ =	shalt  }
0x71: {  	_ =	shalt  }
0x72: {  	_ =	shalt  }
0x73: {  	_ =	shalt  }
0x74: {  	_ =	shalt  }
0x75: {  	_ =	shalt  }
0x76: {  	_ =	shalt  }
0x77: {  	_ =	shalt  }
0x78: {  	_ =	shalt  }
0x79: {  	_ =	shalt  }
0x7a: {  	_ =	shalt  }
0x7b: {  	_ =	shalt  }
0x7c: {  	_ =	shalt  }
0x7d: {  	_ =	shalt  }
0x7e: {  	_ =	shalt  }
0x7f: {  	_ =	shalt  }
0x80: {  	_ =	shalt  }
0x81: {  	_ =	shalt  }
0x82: {  	_ =	shalt  }
0x83: {  	_ =	shalt  }
0x84: {  	_ =	shalt  }
0x85: {  	_ =	shalt  }
0x86: {  	_ =	shalt  }
0x87: {  	_ =	shalt  }
.Lfunc_end0:
.L_simem_size_0:
called_computation_lowered:
.L_overlay_start_0:
0x88: {  	s2 =	sld [smem:$0x3FD9]  }
0x89: {  	s3 =	sld [smem:$0x3FFE];
	_ =	sdelay $0x1  }
0x8a: {  	s1 =	srdreg.scid  }
0x8b: {  	s0 =	sand.u32 $0x1, s1  }
0x8c: {  	s17 =	sshll.u32 s0, $0xA;
	s2 =	sadd.s32 s3, s2  }
0x8d: {  	s2 =	sadd.s32 s2, s17  }
0x8e: {  	[smem:$0x3FBD] =	sst s2  }
0x8f: {  	_ = 	snop  }
0x90: {  	s2 =	sld [smem:$0x3FD0];
	(tm) =	ssettm $0x1  }
0x91: {  	s18 =	sld [smem:$0x3FFB];
	_ =	sdelay $0x3  }
0x92: {  	_ =	strace s18  }
0x93: {  	s3 =	sld [smem:$0x3FFC];
	_ =	sdelay $0x3  }
0x94: {  	_ =	strace s3  }
0x95: {  	s3 =	sld [smem:$0x3FFD];
	_ =	sdelay $0x3  }
0x96: {  	_ =	strace s3  }
0x97: {  	_ =	strace $0x8FFFFFFF  }
0x98: {  	s19 =	sld [smem:$0x3FDB];
	_ =	sdelay $0x1  }
0x99: {  	s4 =	simm.s32 $_scs_section_size  }
0x9a: {  	s5 =	simm.s32 $_size__tile_overlayer_lowered;
	s6 =	simm.s32 $_tile_overlayer_lowered  }
0x9b: {  	s22 =	simm.s32 $0x1BFF;
	s21 =	sshll.u32 s6, $0x1;
	s3 =	sadd.s32 s4, s19  }
0x9c: {  	s7 =	simm.s32 $0x0;
	s20 =	sshll.u32 s5, $0x1;
	s5 =	sadd.s32 s21, s3  }
0x9d: {  	[timem:s7], [sflag:s22] =	dma.local [hbm:s5], s20  }
0x9e: {  	_ =	swait.ge [sflag:s22], s20  }
0x9f: {  	s4 =	ssub.s32 $0x0, s20;
	[sflag:s22] =	ssyncset.done $0x0  }
0xa0: {  	[sflag:s22] =	ssyncadd.s32 s4;
	_ =	sdelay $0x1  }
0xa1: {  	s23 =	simm.s32 $0x1B8B  }
0xa2: {  	_ =	swait.ge [sflag:s23], $0x1  }
0xa3: {  	[sflag:s23] =	ssyncset.done $0x0  }
0xa4: {  	s25 =	simm.s32 $0x1B8E;
	s24 =	sld [smem:$0x3FFE];
	[sflag:s23] =	ssyncadd.s32 $0xFFFFFFFF  }
0xa5: {  	s26 =	simm.s32 $execute0_lowered;
	[smem:$0x3FD2] =	sst s25  }
0xa6: {  	s5 =	sshll.u32 s26, $0x1;
	_ =	strace $0x80000046;
	[dreg:$0x1] =	wrdreg $0xFFFFFFFF  }
0xa7: {  	s28 =	simm.s32 $_size_execute0_lowered;
	s3 =	sadd.s32 s3, s5;
	[dreg:$0x0] =	wrdreg $0x0  }
0xa8: {  	s5 =	sshll.u32 s28, $0x1;
	[dreg:$0x2] =	wrdreg s3  }
0xa9: {  	[dreg:$0x3] =	wrdreg s5  }
0xaa: {  	[dreg:$0x4] =	wrdreg $0xC0  }
0xab: {  	_ =	task [dreg:s7], $0x5FFFF  }
0xac: {  	[dreg:$0x1] =	wrdreg $0xFFFFFFFF  }
0xad: {  	[dreg:$0x0] =	wrdreg $0x60  }
0xae: {  	[dreg:$0x2] =	wrdreg s2  }
0xaf: {  	[dreg:$0x3] =	wrdreg s24  }
0xb0: {  	[dreg:$0x4] =	wrdreg $0x50000  }
0xb1: {  	[dreg:$0x5] =	wrdreg $0xEC400  }
0xb2: {  	[dreg:$0x6] =	wrdreg $0x9  }
0xb3: {  	_ =	task.clear_ibuf [dreg:s7], $0x7FFFF;
	_ =	strace $0x90000046  }
0xb4: {  	s29 =	simm.s32 $0x9;
	_ =	strace $0x80000048  }
0xb5: {  	_ =	swait.ge [sflag:s29], $0x1  }
0xb6: {  	[sflag:s29] =	ssyncadd.s32 $0xFFFFFFFF  }
0xb7: {  	_ =	strace $0x90000048  }
0xb8: {  	_ =	sfence  }
0xb9: {  	s30 =	sld [smem:$0x0];
	_ =	sdelay $0x2  }
0xba: {  	s31 =	sshll.u32 s1, $0xD;
	s1 =	sshrl.u32 s1, $0x2  }
0xbb: {  	s3 =	sand.u32 $0x4000, s31;
	s1 =	sadd.s32 s1, s30  }
0xbc: {  	s0 =	sor.u32 s3, s0;
	s1 =	sshll.u32 s1, $0x11  }
0xbd: {  	s0 =	sor.u32 s1, s0  }
0xbe: {  	s0 =	sadd.s32 $0x8F2B, s0  }
0xbf: {  	[sflag:s0] =	ssyncadd.remote.s32 $0x1  }
0xc0: {  	_ =	sfence.sel $0xFFFF  }
0xc1: {  	[dreg:$0x0] =	wrdreg $0xFFFFFFFF;
	(pc) =	sbr.abs _section_cstart, $3  }
0xc2: {  	[dreg:$0x1] =	wrdreg $0xFFFFFFFF  }
0xc3: {  	_ =	task.clear_ibuf [dreg:s7], $0x2FFFF;
	_ =	strace $0x9FFFFFFF  }
0xc4: {  	(tm) =	ssettm $0x7FFFFFFF  }
0xc5: {  	_ =	shalt  }
tec
execute0_lowered:
.L_overlay_start_1:
0x0: {  	(tag) =	ssettag $0x1  }
0x1: {  	s0 =	rddreg [dreg:$0x0]  }
0x2: {  	s3 =	rddreg [dreg:$0x1]  }
0x3: {  	s1 =	rddreg [dreg:$0x2]  }
0x4: {  	s2 =	rddreg [dreg:$0x3];
	s4 =	simm.s32 $0x0  }
0x5: {  	s5 =	srdreg.scid;
	s23 =	stileid.u32;
	s28 =	simm.s32 $0x1000  }
0x6: {  	s30 =	simm.s32 $0x80;
	s31 =	simm.s32 $0x3000;
	s6 =	smul.u32 $0x13880, s23  }
0x7: {  	[smem:$0x7FF] =	sst s4;
	s21 =	sadd.s32 $0x1E00, s3;
	s8 =	smul.u32 $0x27100, s23  }
0x8: {  	s5 =	sand.u32 $0x1, s5;
	s7 =	sadd.s32 $0x15E00, s3;
	s11 =	smul.u32 $0x278, s23  }
0x9: {  	s3 =	sadd.s32 $0x16200, s3;
	s29 =	sshll.u32 s23, $0x6;
	s13 =	smul.u32 $0x5000, s23  }
0xa: {  	_ =	strace $0x80000047;
	s25 =	ssub.s32 $0x2, s5;
	s5 =	sshll.u32 s5, $0x6  }
0xb: {  	[dreg:$0x5] =	wrdreg s7;
	s9 =	sshrl.u32 s25, $0x1;
	s6 =	sor.u32 s5, s6  }
0xc: {  	s26 =	sshrl.u32 s8, $0x2;
	s7 =	sadd.s32 $0x80, s11;
	s16 =	sadd.s32 $0x100, s11  }
0xd: {  	s17 =	sadd.s32 $0x180, s11;
	s18 =	sadd.s32 $0x200, s11;
	s13 =	sshrl.u32 s13, $0x3  }
0xe: {  	s20 =	ssub.s32 s25, s9;
	s22 =	sadd.s32 s26, s1;
	s6 =	sshrl.u32 s6, $0x3  }
0xf: {  	s14 =	sshll.u32 s7, $0x6;
	s10 =	sshll.u32 s16, $0x6;
	s15 =	sshll.u32 s17, $0x6  }
0x10: {  	s12 =	sshll.u32 s18, $0x6;
	s13 =	sadd.s32 s21, s13;
	s17 =	sshll.u32 s17, $0x7  }
0x11: {  	s18 =	sshll.u32 s18, $0x7;
	s0 =	sadd.s32 s0, s6;
	s6 =	smul.u32 $0x27800, s23  }
0x12: {  	s9 =	sadd.s32 s14, s2;
	s10 =	sadd.s32 s10, s2;
	s14 =	smul.u32 $0x13C00, s23  }
0x13: {  	s11 =	sadd.s32 s15, s2;
	s12 =	sadd.s32 s12, s2;
	s19 =	sadd.s32 $0xA000, s13  }
0x14: {  	s17 =	sor.u32 s5, s17;
	s23 =	smul.u32 $0xA00, s23;
	s20 =	smax.u32 s20, $0x1  }
0x15: {  	s22 =	sshrl.u32 s22, $0x3;
	[dreg:$0x6] =	wrdreg s0;
	s0 =	sor.u32 $0x1C05, s29  }
0x16: {  	[dreg:$0x8] =	wrdreg s19;
	s19 =	sshll.u32 s16, $0x7;
	s26 =	sshrl.u32 s17, $0x3  }
0x17: {  	[dreg:$0x7] =	wrdreg s0;
	s8 =	sshrl.u32 s6, $0x2;
	s15 =	sor.u32 s5, s14  }
0x18: {  	s0 =	sshll.u32 s7, $0x7;
	s25 =	sor.u32 s5, s19;
	s21 =	sadd.s32 s23, s21  }
0x19: {  	s23 =	simm.s32 $0x1;
	s8 =	sadd.s32 s8, s2;
	s15 =	sshrl.u32 s15, $0x3  }
0x1a: {  	s0 =	sor.u32 s5, s0;
	s5 =	sor.u32 s5, s18;
	s18 =	sadd.s32 s3, s26  }
0x1b: {  	s26 =	simm.s32 $0x5;
	s24 =	sadd.s32 s3, s15;
	s0 =	sshrl.u32 s0, $0x3  }
0x1c: {  	s29 =	sshrl.u32 s5, $0x3;
	[dreg:$0x9] =	wrdreg s24;
	s16 =	sadd.s32 s3, s0  }
0x1d: {  	s0 =	sshrl.u32 s25, $0x3;
	s19 =	sadd.s32 s3, s29;
	s24 =	simm.s32 $0x0  }
0x1e: {  	s17 =	sadd.s32 s3, s0;
	s0 =	simm.s32 $0x2;
	s3 =	simm.s32 $0x40  }
.LBB2_1:
0x1f: {  	s5 =	rddreg [dreg:$0x6]  }
0x20: {  	s6 =	rddreg [dreg:$0x7];
	s7 =	simm.s32 $0x8;
	s14 =	simm.s32 $0x10  }
0x21: {  	[spmem:s22@s7], [sflag:s6] =	dma.strided [hbm:s5@s14], $0x1388, s23, $0x8   }
0x22: {  	_ =	swait.ge [sflag:s26], $0x1388  }
0x23: {  	[sflag:s26] =	ssyncset.done $0x0  }
0x24: {  	s14 =	rddreg [dreg:$0x5];
	[sflag:s26] =	ssyncadd.s32 $0xFFFFEC78  }
0x25: {  	[tilespmem:s28], [sflag:$0x5] =	stream.linear.gather [hbm4b:s14+s4], $0x2000, $0x38;
	[tilespmem:$0x18A40] =	vst v63  }
0x26: {  	_ =	swait.ge [sflag:s26], $0x2000  }
0x27: {  	[sflag:s26] =	ssyncset.done $0x0  }
0x28: {  	[sflag:s26] =	ssyncadd.s32 $0xFFFFE000  }
0x29: {  	[spmem:s8] =	stream.linear.scatter [tilespmem:s28], [sflag:$0x5], $0x2000, $0x38;
	[tilespmem:$0x18A40] =	vst v63  }
0x2a: {  	_ =	swait.ge [sflag:s26], $0x2000  }
0x2b: {  	[sflag:s26] =	ssyncset.done $0x0  }
0x2c: {  	[sflag:s26] =	ssyncadd.s32 $0xFFFFE000  }
0x2d: {  	[spmem:s9] =	stream.linear.scatter [tilespmem:s28], [sflag:$0x5], $0x2000, $0x38;
	[tilespmem:$0x18A40] =	vst v63  }
0x2e: {  	_ =	swait.ge [sflag:s26], $0x2000  }
0x2f: {  	[sflag:s26] =	ssyncset.done $0x0  }
0x30: {  	[sflag:s26] =	ssyncadd.s32 $0xFFFFE000  }
0x31: {  	[spmem:s10] =	stream.linear.scatter [tilespmem:s28], [sflag:$0x5], $0x2000, $0x38;
	[tilespmem:$0x18A40] =	vst v63  }
0x32: {  	_ =	swait.ge [sflag:s26], $0x2000  }
0x33: {  	[sflag:s26] =	ssyncset.done $0x0  }
0x34: {  	[sflag:s26] =	ssyncadd.s32 $0xFFFFE000  }
0x35: {  	[spmem:s11] =	stream.linear.scatter [tilespmem:s28], [sflag:$0x5], $0x2000, $0x38;
	[tilespmem:$0x18A40] =	vst v63  }
0x36: {  	_ =	swait.ge [sflag:s26], $0x2000  }
0x37: {  	[sflag:s26] =	ssyncset.done $0x0  }
0x38: {  	[sflag:s26] =	ssyncadd.s32 $0xFFFFE000  }
0x39: {  	[spmem:s12] =	stream.linear.scatter [tilespmem:s28], [sflag:$0x5], $0x1E00, $0x38;
	[tilespmem:$0x18A40] =	vst v63  }
0x3a: {  	_ =	swait.ge [sflag:s26], $0x1E00  }
0x3b: {  	[sflag:s26] =	ssyncset.done $0x0  }
0x3c: {  	[sflag:s26] =	ssyncadd.s32 $0xFFFFE200  }
0x3d: {  	[bflag:$0x0] =	sbarrier.arrive $0xFFFF  }
0x3e: {  	[tilespmem:s4], [sflag:$0x5] =	stream.linear.gather [hbm4b:s13+s4], $0x400, $0x38;
	[tilespmem:$0x18A40] =	vst v63  }
0x3f: {  	_ =	swait.ge [sflag:s26], $0x400  }
0x40: {  	[sflag:s26] =	ssyncset.done $0x0  }
0x41: {  	s25 =	simm.s32 $0x800;
	s15 =	rddreg [dreg:$0x8];
	[sflag:s26] =	ssyncadd.s32 $0xFFFFFC00  }
0x42: {  	[tilespmem:s25], [sflag:$0x5] =	stream.linear.gather [hbm4b:s15+s4], $0x400, $0x38;
	[tilespmem:$0x18A40] =	vst v63  }
0x43: {  	_ =	swait.ge [sflag:s26], $0x400  }
0x44: {  	[sflag:s26] =	ssyncset.done $0x0  }
0x45: {  	s29 =	simm.s32 $0x0;
	s25 =	simm.s32 $0x0;
	[sflag:s26] =	ssyncadd.s32 $0xFFFFFC00  }
.LBB2_2:
0x46: {  	p0 =	seq.s32 s25, $0x980  }
0x47: {  	s5 =	sand.u32 @!p0 $0x400, s29;
	s6 =	sadd.s32 @!p0 s25, s21  }
0x48: {  	s15 =	simm.s32 @!p0 $0x0;
	s7 =	sxor.u32 @!p0 $0x400, s5;
	s14 =	sadd.s32 @!p0 $0x80, s6  }
0x49: {  	[tilespmem:s7], [sflag:$0x3] =	stream.linear.gather @!p0 [hbm4b:s14+s15], $0x400, $0x38;
	[tilespmem:$0x18A40] =	vst v63  }
0x4a: {  	s6 =	sadd.s32 @!p0 $0xA080, s6;
	s7 =	sor.u32 @!p0 $0x800, s7  }
0x4b: {  	[tilespmem:s7], [sflag:$0x4] =	stream.linear.gather @!p0 [hbm4b:s6+s15], $0x400, $0x38;
	[tilespmem:$0x18A40] =	vst v63  }
0x4c: {  	s5 =	simm.s32 @p0 $0x400  }
0x4d: {  	[tilespmem:s28], [sflag:$0x1] =	stream.indirect.gather [spmem:s1], $0x40, s5, s30, $0xb8;
	[tilespmem:$0x18A40] =	vst v63  }
0x4e: {  	s14 =	sor.u32 $0x80, s5  }
0x4f: {  	[tilespmem:s31], [sflag:$0x2] =	stream.indirect.gather [spmem:s1], $0x40, s14, s30, $0xb8;
	[tilespmem:$0x18A40] =	vst v63  }
0x50: {  	_ =	swait.ge [sflag:s23], $0x2000  }
0x51: {  	[sflag:s23] =	ssyncset.done $0x0  }
0x52: {  	s15 =	sor.u32 $0x800, s5;
	[sflag:s23] =	ssyncadd.s32 $0xFFFFE000  }
0x53: {  	[spmem:s2] =	stream.indirect.scatter.add.f32 [tilespmem:s28], [sflag:$0x5], $0x40, s15, s30, $0xb8;
	[tilespmem:$0x18A40] =	vst v63  }
0x54: {  	_ =	swait.ge [sflag:s26], $0x2000  }
0x55: {  	[sflag:s26] =	ssyncset.done $0x0  }
0x56: {  	s7 =	sor.u32 $0x100, s5;
	[sflag:s26] =	ssyncadd.s32 $0xFFFFE000  }
0x57: {  	[tilespmem:s28], [sflag:$0x1] =	stream.indirect.gather [spmem:s1], $0x40, s7, s30, $0xb8;
	[tilespmem:$0x18A40] =	vst v63  }
0x58: {  	_ =	swait.ge [sflag:s0], $0x2000  }
0x59: {  	[sflag:s0] =	ssyncset.done $0x0  }
0x5a: {  	s14 =	sor.u32 $0x880, s5;
	[sflag:s0] =	ssyncadd.s32 $0xFFFFE000  }
0x5b: {  	[spmem:s2] =	stream.indirect.scatter.add.f32 [tilespmem:s31], [sflag:$0x5], $0x40, s14, s30, $0xb8;
	[tilespmem:$0x18A40] =	vst v63  }
0x5c: {  	_ =	swait.ge [sflag:s26], $0x2000  }
0x5d: {  	[sflag:s26] =	ssyncset.done $0x0  }
0x5e: {  	s15 =	sor.u32 $0x180, s5;
	[sflag:s26] =	ssyncadd.s32 $0xFFFFE000  }
0x5f: {  	[tilespmem:s31], [sflag:$0x2] =	stream.indirect.gather [spmem:s1], $0x40, s15, s30, $0xb8;
	[tilespmem:$0x18A40] =	vst v63  }
0x60: {  	_ =	swait.ge [sflag:s23], $0x2000  }
0x61: {  	[sflag:s23] =	ssyncset.done $0x0  }
0x62: {  	s7 =	sor.u32 $0x900, s5;
	[sflag:s23] =	ssyncadd.s32 $0xFFFFE000  }
0x63: {  	[spmem:s2] =	stream.indirect.scatter.add.f32 [tilespmem:s28], [sflag:$0x5], $0x40, s7, s30, $0xb8;
	[tilespmem:$0x18A40] =	vst v63  }
0x64: {  	_ =	swait.ge [sflag:s26], $0x2000  }
0x65: {  	[sflag:s26] =	ssyncset.done $0x0  }
0x66: {  	s14 =	sor.u32 $0x200, s5;
	[sflag:s26] =	ssyncadd.s32 $0xFFFFE000  }
0x67: {  	[tilespmem:s28], [sflag:$0x1] =	stream.indirect.gather [spmem:s1], $0x40, s14, s30, $0xb8;
	[tilespmem:$0x18A40] =	vst v63  }
0x68: {  	_ =	swait.ge [sflag:s0], $0x2000  }
0x69: {  	[sflag:s0] =	ssyncset.done $0x0  }
0x6a: {  	s15 =	sor.u32 $0x980, s5;
	[sflag:s0] =	ssyncadd.s32 $0xFFFFE000  }
0x6b: {  	[spmem:s2] =	stream.indirect.scatter.add.f32 [tilespmem:s31], [sflag:$0x5], $0x40, s15, s30, $0xb8;
	[tilespmem:$0x18A40] =	vst v63  }
0x6c: {  	_ =	swait.ge [sflag:s26], $0x2000  }
0x6d: {  	[sflag:s26] =	ssyncset.done $0x0  }
0x6e: {  	s7 =	sor.u32 $0x280, s5;
	[sflag:s26] =	ssyncadd.s32 $0xFFFFE000  }
0x6f: {  	[tilespmem:s31], [sflag:$0x2] =	stream.indirect.gather [spmem:s1], $0x40, s7, s30, $0xb8;
	[tilespmem:$0x18A40] =	vst v63  }
0x70: {  	_ =	swait.ge [sflag:s23], $0x2000  }
0x71: {  	[sflag:s23] =	ssyncset.done $0x0  }
0x72: {  	s14 =	sor.u32 $0xA00, s5;
	[sflag:s23] =	ssyncadd.s32 $0xFFFFE000  }
0x73: {  	[spmem:s2] =	stream.indirect.scatter.add.f32 [tilespmem:s28], [sflag:$0x5], $0x40, s14, s30, $0xb8;
	[tilespmem:$0x18A40] =	vst v63  }
0x74: {  	_ =	swait.ge [sflag:s26], $0x2000  }
0x75: {  	[sflag:s26] =	ssyncset.done $0x0  }
0x76: {  	s15 =	sor.u32 $0x300, s5;
	[sflag:s26] =	ssyncadd.s32 $0xFFFFE000  }
0x77: {  	[tilespmem:s28], [sflag:$0x1] =	stream.indirect.gather [spmem:s1], $0x40, s15, s30, $0xb8;
	[tilespmem:$0x18A40] =	vst v63  }
0x78: {  	_ =	swait.ge [sflag:s0], $0x2000  }
0x79: {  	[sflag:s0] =	ssyncset.done $0x0  }
0x7a: {  	s7 =	sor.u32 $0xA80, s5;
	[sflag:s0] =	ssyncadd.s32 $0xFFFFE000  }
0x7b: {  	[spmem:s2] =	stream.indirect.scatter.add.f32 [tilespmem:s31], [sflag:$0x5], $0x40, s7, s30, $0xb8;
	[tilespmem:$0x18A40] =	vst v63  }
0x7c: {  	_ =	swait.ge [sflag:s26], $0x2000  }
0x7d: {  	[sflag:s26] =	ssyncset.done $0x0  }
0x7e: {  	s14 =	sor.u32 $0x380, s5;
	[sflag:s26] =	ssyncadd.s32 $0xFFFFE000  }
0x7f: {  	[tilespmem:s31], [sflag:$0x2] =	stream.indirect.gather [spmem:s1], $0x40, s14, s30, $0xb8;
	[tilespmem:$0x18A40] =	vst v63  }
0x80: {  	_ =	swait.ge [sflag:s23], $0x2000  }
0x81: {  	[sflag:s23] =	ssyncset.done $0x0  }
0x82: {  	s15 =	sor.u32 $0xB00, s5;
	[sflag:s23] =	ssyncadd.s32 $0xFFFFE000  }
0x83: {  	[spmem:s2] =	stream.indirect.scatter.add.f32 [tilespmem:s28], [sflag:$0x5], $0x40, s15, s30, $0xb8;
	[tilespmem:$0x18A40] =	vst v63  }
0x84: {  	_ =	swait.ge [sflag:s26], $0x2000  }
0x85: {  	[sflag:s26] =	ssyncset.done $0x0  }
0x86: {  	[sflag:s26] =	ssyncadd.s32 $0xFFFFE000  }
0x87: {  	_ =	swait.ge [sflag:s0], $0x2000  }
0x88: {  	[sflag:s0] =	ssyncset.done $0x0  }
0x89: {  	s5 =	sor.u32 $0xB80, s5;
	[sflag:s0] =	ssyncadd.s32 $0xFFFFE000  }
0x8a: {  	[spmem:s2] =	stream.indirect.scatter.add.f32 [tilespmem:s31], [sflag:$0x5], $0x40, s5, s30, $0xb8;
	[tilespmem:$0x18A40] =	vst v63  }
0x8b: {  	_ =	swait.ge [sflag:s26], $0x2000  }
0x8c: {  	s25 =	sadd.s32 @!p0 $0x80, s25;
	[sflag:s26] =	ssyncset.done $0x0  }
0x8d: {  	p1 =	sne.s32 @!p0 s25, $0xA00;
	s5 =	simm.s32 @!p0 $0x3;
	[sflag:s26] =	ssyncadd.s32 $0xFFFFE000  }
0x8e: {  	p1 =	por p0, !p1;
	_ =	swait.ge @!p0 [sflag:s5], $0x400  }
.Ltmp0:
0x8f: {  	[sflag:s5] =	ssyncset.done @!p0 $0x0;
	(pc) =	sbr.rel @!p1 .LBB2_2-.Ltmp0, $4  }
0x90: {  	[sflag:s5] =	ssyncadd.s32 @!p0 $0xFFFFFC00;
	s5 =	simm.s32 @!p0 $0x4  }
0x91: {  	_ =	swait.ge @!p0 [sflag:s5], $0x400  }
0x92: {  	[sflag:s5] =	ssyncset.done @!p0 $0x0  }
0x93: {  	s29 =	sadd.s32 @!p0 $0x400, s29;
	[sflag:s5] =	ssyncadd.s32 @!p0 $0xFFFFFC00  }
0x94: {  	[bflag:$0x0] =	sbarrier.arrive $0xFFFF  }
0x95: {  	[tilespmem:s28], [sflag:$0x5] =	stream.linear.gather [spmem:s8], $0x2000, $0x38;
	[tilespmem:$0x18A40] =	vst v63  }
0x96: {  	_ =	swait.ge [sflag:s26], $0x2000  }
0x97: {  	[sflag:s26] =	ssyncset.done $0x0  }
0x98: {  	s5 =	rddreg [dreg:$0x9];
	[sflag:s26] =	ssyncadd.s32 $0xFFFFE000  }
0x99: {  	[hbm4b:s5+s3] =	stream.strided.scatter [tilespmem:s28], [sflag:$0x5], $0x2000, s30, s3, $0x38;
	[tilespmem:$0x18A40] =	vst v63  }
0x9a: {  	_ =	swait.ge [sflag:s26], $0x2000  }
0x9b: {  	[sflag:s26] =	ssyncset.done $0x0  }
0x9c: {  	[sflag:s26] =	ssyncadd.s32 $0xFFFFE000  }
0x9d: {  	[tilespmem:s28], [sflag:$0x5] =	stream.linear.gather [spmem:s9], $0x2000, $0x38;
	[tilespmem:$0x18A40] =	vst v63  }
0x9e: {  	_ =	swait.ge [sflag:s26], $0x2000  }
0x9f: {  	[sflag:s26] =	ssyncset.done $0x0  }
0xa0: {  	[sflag:s26] =	ssyncadd.s32 $0xFFFFE000  }
0xa1: {  	[hbm4b:s16+s3] =	stream.strided.scatter [tilespmem:s28], [sflag:$0x5], $0x2000, s30, s3, $0x38;
	[tilespmem:$0x18A40] =	vst v63  }
0xa2: {  	_ =	swait.ge [sflag:s26], $0x2000  }
0xa3: {  	[sflag:s26] =	ssyncset.done $0x0  }
0xa4: {  	[sflag:s26] =	ssyncadd.s32 $0xFFFFE000  }
0xa5: {  	[tilespmem:s28], [sflag:$0x5] =	stream.linear.gather [spmem:s10], $0x2000, $0x38;
	[tilespmem:$0x18A40] =	vst v63  }
0xa6: {  	_ =	swait.ge [sflag:s26], $0x2000  }
0xa7: {  	[sflag:s26] =	ssyncset.done $0x0  }
0xa8: {  	[sflag:s26] =	ssyncadd.s32 $0xFFFFE000  }
0xa9: {  	[hbm4b:s17+s3] =	stream.strided.scatter [tilespmem:s28], [sflag:$0x5], $0x2000, s30, s3, $0x38;
	[tilespmem:$0x18A40] =	vst v63  }
0xaa: {  	_ =	swait.ge [sflag:s26], $0x2000  }
0xab: {  	[sflag:s26] =	ssyncset.done $0x0  }
0xac: {  	[sflag:s26] =	ssyncadd.s32 $0xFFFFE000  }
0xad: {  	[tilespmem:s28], [sflag:$0x5] =	stream.linear.gather [spmem:s11], $0x2000, $0x38;
	[tilespmem:$0x18A40] =	vst v63  }
0xae: {  	_ =	swait.ge [sflag:s26], $0x2000  }
0xaf: {  	[sflag:s26] =	ssyncset.done $0x0  }
0xb0: {  	[sflag:s26] =	ssyncadd.s32 $0xFFFFE000  }
0xb1: {  	[hbm4b:s18+s3] =	stream.strided.scatter [tilespmem:s28], [sflag:$0x5], $0x2000, s30, s3, $0x38;
	[tilespmem:$0x18A40] =	vst v63  }
0xb2: {  	_ =	swait.ge [sflag:s26], $0x2000  }
0xb3: {  	[sflag:s26] =	ssyncset.done $0x0  }
0xb4: {  	[sflag:s26] =	ssyncadd.s32 $0xFFFFE000  }
0xb5: {  	[tilespmem:s28], [sflag:$0x5] =	stream.linear.gather [spmem:s12], $0x1E00, $0x38;
	[tilespmem:$0x18A40] =	vst v63  }
0xb6: {  	s24 =	sadd.s32 $0x1, s24;
	_ =	swait.ge [sflag:s26], $0x1E00  }
0xb7: {  	p0 =	sne.s32 s24, s20;
	[sflag:s26] =	ssyncset.done $0x0  }
.Ltmp1:
0xb8: {  	[sflag:s26] =	ssyncadd.s32 $0xFFFFE200;
	(pc) =	sbr.rel @p0 .LBB2_1-.Ltmp1, $4  }
0xb9: {  	[hbm4b:s19+s3] =	stream.strided.scatter [tilespmem:s28], [sflag:$0x5], $0x1E00, s30, s3, $0x38;
	[tilespmem:$0x18A40] =	vst v63  }
0xba: {  	_ =	swait.ge [sflag:s26], $0x1E00  }
0xbb: {  	[sflag:s26] =	ssyncset.done $0x0  }
0xbc: {  	[sflag:s26] =	ssyncadd.s32 $0xFFFFE200  }
0xbd: {  	_ =	sfence.sel $0x180000  }
0xbe: {  	[bflag:$0x0] =	sbarrier.arrive $0xFFFF  }
0xbf: {  	_ =	strace $0x90000047  }
0xc0: {  	s0 =	stileid.u32;
	[bflag:$0x2] =	sbarrier.arrive $0xFFFF  }
0xc1: {  	p0 =	sne.s32 s0, $0x0;
	s0 =	rddreg [dreg:$0x4]  }
0xc2: {  	s0 =	sadd.s32 @!p0 $0x100000, s0  }
0xc3: {  	[sflag:s0] =	ssyncadd.tile.s32 @!p0 $0x1;
	_ =	shalt  }
.Lfunc_end2:
_tile_overlayer_lowered:
.L_overlay_start_2:
0xc4: {  	(tag) =	ssettag $0x2  }
0xc5: {  	s0 =	rddreg [dreg:$0x0];
	s2 =	stileid.u32  }
0xc6: {  	s1 =	rddreg [dreg:$0x1];
	p0 =	sne.s32 s2, $0x0  }
0xc7: {  	s3 =	rddreg [dreg:$0x2];
	[bflag:$0x3] =	sbarrier.arrive $0xFFFF;
	s2 =	simm.s32 @!p0 $0x1C05  }
0xc8: {  	[timem:s3], [sflag:s2] =	dma.local @!p0 [hbm:s0], s1  }
0xc9: {  	s0 =	simm.s32 @!p0 $0x5  }
0xca: {  	_ =	swait.ge @!p0 [sflag:s0], s1  }
0xcb: {  	s1 =	ssub.s32 @!p0 $0x0, s1;
	[sflag:s0] =	ssyncset.done @!p0 $0x0  }
0xcc: {  	[sflag:s0] =	ssyncadd.s32 @!p0 s1  }
0xcd: {  	[bflag:$0x3] =	sbarrier.arrive $0xFFFF  }
0xce: {  	_ =	shalt  }

</sc_bundles>
